<compile_context>
chip_gen: v7x
topology: tpu7x:2x2x1
jax: 0.10.2.dev20260603
libtpu: 0.0.44.dev20260713+nightly
codegen_flags: <defaults>
</compile_context>

<pallas_src>
import functools

import jax
import jax.numpy as jnp
from jax import lax
from jax.experimental import pallas as pl
from jax.experimental.pallas import tpu as pltpu
from jax.experimental.pallas import tpu_sc as plsc


def _make_sc_copy(T, D, C=16):
    NW = 32
    rows_per_w = T // NW
    NCH = rows_per_w // C
    mesh = plsc.VectorSubcoreMesh(core_axis_name="c", subcore_axis_name="s")

    @functools.partial(
        pl.kernel,
        mesh=mesh,
        out_type=jax.ShapeDtypeStruct((T, D), jnp.float32),
        scratch_types=[
            pltpu.VMEM((2 * C, D), jnp.float32),
            pltpu.SemaphoreType.DMA,
            pltpu.SemaphoreType.DMA,
            pltpu.SemaphoreType.DMA,
            pltpu.SemaphoreType.DMA,
        ],
    )
    def copy_k(table_hbm, out_hbm, buf, sin0, sin1, sout0, sout1):
        wid = lax.axis_index("s") * 2 + lax.axis_index("c")
        base = wid * rows_per_w
        sin = (sin0, sin1)
        sout = (sout0, sout1)

        def in_dma(j):
            b = j % 2
            return pltpu.make_async_copy(
                table_hbm.at[pl.ds(base + j * C, C)],
                buf.at[pl.ds(b * C, C)],
                sin[b],
            )

        def out_dma(j):
            b = j % 2
            return pltpu.make_async_copy(
                buf.at[pl.ds(b * C, C)],
                out_hbm.at[pl.ds(base + j * C, C)],
                sout[b],
            )

        in_dma(0).start()
        for j in range(NCH):
            if j + 1 < NCH:
                if j >= 1:
                    out_dma(j - 1).wait()
                in_dma(j + 1).start()
            in_dma(j).wait()
            out_dma(j).start()
        out_dma(NCH - 2).wait()
        out_dma(NCH - 1).wait()

    return copy_k


def kernel(x, table):
    T = x.shape[1]
    D = table.shape[1]
    return _make_sc_copy(T, D)(table)

# --- scband reference (transcript-rebuilt; emitter-appended) ---
"""Pipeline reference for scband-position-embedding-29566554866225 (READ-ONLY COPY).

The authoritative reference and input builder live on the scoring server;
editing this copy changes nothing except your own understanding.
"""

import jax, jax.numpy as jnp
import numpy as np
import math

CONTEXT_LENGTH = 8192
D_MODEL = 2048

def _build_table(context_length, d_model):
    position = np.arange(0, context_length, dtype=np.float32)[:, None]
    div_term = np.exp(np.arange(0, d_model, 2).astype(np.float32) * (-math.log(10000.0) / d_model))
    table = np.zeros((context_length, d_model), dtype=np.float32)
    table[:, 0::2] = np.sin(position * div_term)
    table[:, 1::2] = np.cos(position * div_term)
    return jnp.asarray(table)

def setup_inputs(seed: int = 0) -> dict:
    key = jax.random.key(seed)
    k1, _ = jax.random.split(key)
    x = jax.random.randint(k1, (4, 8192), 0, 50000, dtype=jnp.int64 if jax.config.jax_enable_x64 else jnp.int32).astype(jnp.int32)
    table = _build_table(CONTEXT_LENGTH, D_MODEL)
    return {"x": x, "table": table}

def reference(x, table):
    # Faithful translation: forward returns the first T rows of the
    # precomputed sinusoidal position-encoding lookup table, where T = x.shape[1].
    B, T = x.shape
    return table[:T, :]

if __name__ == "__main__":
    import jax
    _d = setup_inputs()
    print(jax.jit(kernel)(*tuple(_d.values())))

</pallas_src>

<mosaic_0001>
#map = affine_map<(d0, d1) -> (0, 0)>
module attributes {stable_mosaic.version = 14 : i64} {
  func.func @copy_k(%arg0: i32, %arg1: i32, %arg2: memref<8192x2048xf32, #tpu.memory_space<hbm>>, %arg3: memref<8192x2048xf32, #tpu.memory_space<hbm>>, %arg4: memref<32x2048xf32, #tpu.memory_space<vmem>>, %arg5: memref<!tpu.dma_semaphore, #tpu.memory_space<semaphore_mem>>, %arg6: memref<!tpu.dma_semaphore, #tpu.memory_space<semaphore_mem>>, %arg7: memref<!tpu.dma_semaphore, #tpu.memory_space<semaphore_mem>>, %arg8: memref<!tpu.dma_semaphore, #tpu.memory_space<semaphore_mem>>) attributes {dimension_semantics = [#tpu.dimension_semantics<core_parallel>, #tpu.dimension_semantics<subcore_parallel>], iteration_bounds = array<i64: 2, 16>, scalar_prefetch = 0 : i64, scratch_operands = 5 : i64, tpu.core_type = #tpu.core_type<sc_vector_subcore>, window_params = [{transform_indices = #map}, {transform_indices = #map}]} {
    %mul3A = arith.constant 2 : i32
    %mul3A_0 = arith.muli %arg1, %mul3A : i32
    %add3A = arith.addi %mul3A_0, %arg0 : i32
    %mul3A_1 = arith.constant 256 : i32
    %mul3A_2 = arith.muli %add3A, %mul3A_1 : i32
    %add3A_3 = arith.constant 0 : i32
    %add3A_4 = arith.addi %mul3A_2, %add3A_3 : i32
    %dma_start3A = arith.constant 0 : i32
    %dma_start3A_5 = arith.constant 0 : i32
    %dma_start3A_6 = tpu.memref_slice %arg4[%dma_start3A, %dma_start3A_5] : memref<32x2048xf32, #tpu.memory_space<vmem>> -> memref<16x2048xf32, #tpu.memory_space<vmem>>
    %dma_start3A_7 = arith.constant 0 : i32
    %dma_start3A_8 = tpu.memref_slice %arg2[%add3A_4, %dma_start3A_7] : memref<8192x2048xf32, #tpu.memory_space<hbm>> -> memref<16x2048xf32, #tpu.memory_space<hbm>>
    %dma_start3A_9 = arith.constant 0 : i32
    %dma_start3A_10 = arith.constant 0 : i32
    %dma_start3A_11 = tpu.memref_slice %arg4[%dma_start3A_9, %dma_start3A_10] : memref<32x2048xf32, #tpu.memory_space<vmem>> -> memref<16x2048xf32, #tpu.memory_space<vmem>>
    %dma_start3A_12 = arith.constant 0 : i32
    %dma_start3A_13 = tpu.memref_slice %arg2[%add3A_4, %dma_start3A_12] : memref<8192x2048xf32, #tpu.memory_space<hbm>> -> memref<16x2048xf32, #tpu.memory_space<hbm>>
    tpu.enqueue_dma source(%dma_start3A_13 : memref<16x2048xf32, #tpu.memory_space<hbm>>) target(%dma_start3A_11 : memref<16x2048xf32, #tpu.memory_space<vmem>>) target_semaphore(%arg5 : memref<!tpu.dma_semaphore, #tpu.memory_space<semaphore_mem>>)
    %add3A_14 = arith.constant 16 : i32
    %add3A_15 = arith.addi %mul3A_2, %add3A_14 : i32
    %dma_start3A_16 = arith.constant 16 : i32
    %dma_start3A_17 = arith.constant 0 : i32
    %dma_start3A_18 = tpu.memref_slice %arg4[%dma_start3A_16, %dma_start3A_17] : memref<32x2048xf32, #tpu.memory_space<vmem>> -> memref<16x2048xf32, #tpu.memory_space<vmem>>
    %dma_start3A_19 = arith.constant 0 : i32
    %dma_start3A_20 = tpu.memref_slice %arg2[%add3A_15, %dma_start3A_19] : memref<8192x2048xf32, #tpu.memory_space<hbm>> -> memref<16x2048xf32, #tpu.memory_space<hbm>>
    %dma_start3A_21 = arith.constant 16 : i32
    %dma_start3A_22 = arith.constant 0 : i32
    %dma_start3A_23 = tpu.memref_slice %arg4[%dma_start3A_21, %dma_start3A_22] : memref<32x2048xf32, #tpu.memory_space<vmem>> -> memref<16x2048xf32, #tpu.memory_space<vmem>>
    %dma_start3A_24 = arith.constant 0 : i32
    %dma_start3A_25 = tpu.memref_slice %arg2[%add3A_15, %dma_start3A_24] : memref<8192x2048xf32, #tpu.memory_space<hbm>> -> memref<16x2048xf32, #tpu.memory_space<hbm>>
    tpu.enqueue_dma source(%dma_start3A_25 : memref<16x2048xf32, #tpu.memory_space<hbm>>) target(%dma_start3A_23 : memref<16x2048xf32, #tpu.memory_space<vmem>>) target_semaphore(%arg6 : memref<!tpu.dma_semaphore, #tpu.memory_space<semaphore_mem>>)
    %add3A_26 = arith.constant 0 : i32
    %add3A_27 = arith.addi %mul3A_2, %add3A_26 : i32
    %dma_wait3A = arith.constant 0 : i32
    %dma_wait3A_28 = arith.constant 0 : i32
    %dma_wait3A_29 = tpu.memref_slice %arg4[%dma_wait3A, %dma_wait3A_28] : memref<32x2048xf32, #tpu.memory_space<vmem>> -> memref<16x2048xf32, #tpu.memory_space<vmem>>
    %dma_wait3A_30 = arith.constant 0 : i32
    %dma_wait3A_31 = tpu.memref_slice %arg2[%add3A_27, %dma_wait3A_30] : memref<8192x2048xf32, #tpu.memory_space<hbm>> -> memref<16x2048xf32, #tpu.memory_space<hbm>>
    %dma_wait3A_32 = arith.constant 0 : i32
    %dma_wait3A_33 = arith.constant 0 : i32
    %dma_wait3A_34 = tpu.memref_slice %arg4[%dma_wait3A_32, %dma_wait3A_33] : memref<32x2048xf32, #tpu.memory_space<vmem>> -> memref<16x2048xf32, #tpu.memory_space<vmem>>
    %dma_wait3A_35 = arith.constant 0 : i32
    %dma_wait3A_36 = tpu.memref_slice %arg2[%add3A_27, %dma_wait3A_35] : memref<8192x2048xf32, #tpu.memory_space<hbm>> -> memref<16x2048xf32, #tpu.memory_space<hbm>>
    tpu.wait_dma2 semaphore(%arg5 : memref<!tpu.dma_semaphore, #tpu.memory_space<semaphore_mem>>) src(%dma_wait3A_36 : memref<16x2048xf32, #tpu.memory_space<hbm>>) dst(%dma_wait3A_34 : memref<16x2048xf32, #tpu.memory_space<vmem>>)
    %add3A_37 = arith.constant 0 : i32
    %add3A_38 = arith.addi %mul3A_2, %add3A_37 : i32
    %dma_start3A_39 = arith.constant 0 : i32
    %dma_start3A_40 = arith.constant 0 : i32
    %dma_start3A_41 = tpu.memref_slice %arg4[%dma_start3A_39, %dma_start3A_40] : memref<32x2048xf32, #tpu.memory_space<vmem>> -> memref<16x2048xf32, #tpu.memory_space<vmem>>
    %dma_start3A_42 = arith.constant 0 : i32
    %dma_start3A_43 = tpu.memref_slice %arg3[%add3A_38, %dma_start3A_42] : memref<8192x2048xf32, #tpu.memory_space<hbm>> -> memref<16x2048xf32, #tpu.memory_space<hbm>>
    %dma_start3A_44 = arith.constant 0 : i32
    %dma_start3A_45 = tpu.memref_slice %arg3[%add3A_38, %dma_start3A_44] : memref<8192x2048xf32, #tpu.memory_space<hbm>> -> memref<16x2048xf32, #tpu.memory_space<hbm>>
    %dma_start3A_46 = arith.constant 0 : i32
    %dma_start3A_47 = arith.constant 0 : i32
    %dma_start3A_48 = tpu.memref_slice %arg4[%dma_start3A_46, %dma_start3A_47] : memref<32x2048xf32, #tpu.memory_space<vmem>> -> memref<16x2048xf32, #tpu.memory_space<vmem>>
    tpu.enqueue_dma source(%dma_start3A_48 : memref<16x2048xf32, #tpu.memory_space<vmem>>) target(%dma_start3A_45 : memref<16x2048xf32, #tpu.memory_space<hbm>>) target_semaphore(%arg7 : memref<!tpu.dma_semaphore, #tpu.memory_space<semaphore_mem>>)
    %add3A_49 = arith.constant 0 : i32
    %add3A_50 = arith.addi %mul3A_2, %add3A_49 : i32
    %dma_wait3A_51 = arith.constant 0 : i32
    %dma_wait3A_52 = arith.constant 0 : i32
    %dma_wait3A_53 = tpu.memref_slice %arg4[%dma_wait3A_51, %dma_wait3A_52] : memref<32x2048xf32, #tpu.memory_space<vmem>> -> memref<16x2048xf32, #tpu.memory_space<vmem>>
    %dma_wait3A_54 = arith.constant 0 : i32
    %dma_wait3A_55 = tpu.memref_slice %arg3[%add3A_50, %dma_wait3A_54] : memref<8192x2048xf32, #tpu.memory_space<hbm>> -> memref<16x2048xf32, #tpu.memory_space<hbm>>
    %dma_wait3A_56 = arith.constant 0 : i32
    %dma_wait3A_57 = tpu.memref_slice %arg3[%add3A_50, %dma_wait3A_56] : memref<8192x2048xf32, #tpu.memory_space<hbm>> -> memref<16x2048xf32, #tpu.memory_space<hbm>>
    %dma_wait3A_58 = arith.constant 0 : i32
    %dma_wait3A_59 = arith.constant 0 : i32
    %dma_wait3A_60 = tpu.memref_slice %arg4[%dma_wait3A_58, %dma_wait3A_59] : memref<32x2048xf32, #tpu.memory_space<vmem>> -> memref<16x2048xf32, #tpu.memory_space<vmem>>
    tpu.wait_dma2 semaphore(%arg7 : memref<!tpu.dma_semaphore, #tpu.memory_space<semaphore_mem>>) src(%dma_wait3A_60 : memref<16x2048xf32, #tpu.memory_space<vmem>>) dst(%dma_wait3A_57 : memref<16x2048xf32, #tpu.memory_space<hbm>>)
    %add3A_61 = arith.constant 32 : i32
    %add3A_62 = arith.addi %mul3A_2, %add3A_61 : i32
    %dma_start3A_63 = arith.constant 0 : i32
    %dma_start3A_64 = arith.constant 0 : i32
    %dma_start3A_65 = tpu.memref_slice %arg4[%dma_start3A_63, %dma_start3A_64] : memref<32x2048xf32, #tpu.memory_space<vmem>> -> memref<16x2048xf32, #tpu.memory_space<vmem>>
    %dma_start3A_66 = arith.constant 0 : i32
    %dma_start3A_67 = tpu.memref_slice %arg2[%add3A_62, %dma_start3A_66] : memref<8192x2048xf32, #tpu.memory_space<hbm>> -> memref<16x2048xf32, #tpu.memory_space<hbm>>
    %dma_start3A_68 = arith.constant 0 : i32
    %dma_start3A_69 = arith.constant 0 : i32
    %dma_start3A_70 = tpu.memref_slice %arg4[%dma_start3A_68, %dma_start3A_69] : memref<32x2048xf32, #tpu.memory_space<vmem>> -> memref<16x2048xf32, #tpu.memory_space<vmem>>
    %dma_start3A_71 = arith.constant 0 : i32
    %dma_start3A_72 = tpu.memref_slice %arg2[%add3A_62, %dma_start3A_71] : memref<8192x2048xf32, #tpu.memory_space<hbm>> -> memref<16x2048xf32, #tpu.memory_space<hbm>>
    tpu.enqueue_dma source(%dma_start3A_72 : memref<16x2048xf32, #tpu.memory_space<hbm>>) target(%dma_start3A_70 : memref<16x2048xf32, #tpu.memory_space<vmem>>) target_semaphore(%arg5 : memref<!tpu.dma_semaphore, #tpu.memory_space<semaphore_mem>>)
    %add3A_73 = arith.constant 16 : i32
    %add3A_74 = arith.addi %mul3A_2, %add3A_73 : i32
    %dma_wait3A_75 = arith.constant 16 : i32
    %dma_wait3A_76 = arith.constant 0 : i32
    %dma_wait3A_77 = tpu.memref_slice %arg4[%dma_wait3A_75, %dma_wait3A_76] : memref<32x2048xf32, #tpu.memory_space<vmem>> -> memref<16x2048xf32, #tpu.memory_space<vmem>>
    %dma_wait3A_78 = arith.constant 0 : i32
    %dma_wait3A_79 = tpu.memref_slice %arg2[%add3A_74, %dma_wait3A_78] : memref<8192x2048xf32, #tpu.memory_space<hbm>> -> memref<16x2048xf32, #tpu.memory_space<hbm>>
    %dma_wait3A_80 = arith.constant 16 : i32
    %dma_wait3A_81 = arith.constant 0 : i32
    %dma_wait3A_82 = tpu.memref_slice %arg4[%dma_wait3A_80, %dma_wait3A_81] : memref<32x2048xf32, #tpu.memory_space<vmem>> -> memref<16x2048xf32, #tpu.memory_space<vmem>>
    %dma_wait3A_83 = arith.constant 0 : i32
    %dma_wait3A_84 = tpu.memref_slice %arg2[%add3A_74, %dma_wait3A_83] : memref<8192x2048xf32, #tpu.memory_space<hbm>> -> memref<16x2048xf32, #tpu.memory_space<hbm>>
    tpu.wait_dma2 semaphore(%arg6 : memref<!tpu.dma_semaphore, #tpu.memory_space<semaphore_mem>>) src(%dma_wait3A_84 : memref<16x2048xf32, #tpu.memory_space<hbm>>) dst(%dma_wait3A_82 : memref<16x2048xf32, #tpu.memory_space<vmem>>)
    %add3A_85 = arith.constant 16 : i32
    %add3A_86 = arith.addi %mul3A_2, %add3A_85 : i32
    %dma_start3A_87 = arith.constant 16 : i32
    %dma_start3A_88 = arith.constant 0 : i32
    %dma_start3A_89 = tpu.memref_slice %arg4[%dma_start3A_87, %dma_start3A_88] : memref<32x2048xf32, #tpu.memory_space<vmem>> -> memref<16x2048xf32, #tpu.memory_space<vmem>>
    %dma_start3A_90 = arith.constant 0 : i32
    %dma_start3A_91 = tpu.memref_slice %arg3[%add3A_86, %dma_start3A_90] : memref<8192x2048xf32, #tpu.memory_space<hbm>> -> memref<16x2048xf32, #tpu.memory_space<hbm>>
    %dma_start3A_92 = arith.constant 0 : i32
    %dma_start3A_93 = tpu.memref_slice %arg3[%add3A_86, %dma_start3A_92] : memref<8192x2048xf32, #tpu.memory_space<hbm>> -> memref<16x2048xf32, #tpu.memory_space<hbm>>
    %dma_start3A_94 = arith.constant 16 : i32
    %dma_start3A_95 = arith.constant 0 : i32
    %dma_start3A_96 = tpu.memref_slice %arg4[%dma_start3A_94, %dma_start3A_95] : memref<32x2048xf32, #tpu.memory_space<vmem>> -> memref<16x2048xf32, #tpu.memory_space<vmem>>
    tpu.enqueue_dma source(%dma_start3A_96 : memref<16x2048xf32, #tpu.memory_space<vmem>>) target(%dma_start3A_93 : memref<16x2048xf32, #tpu.memory_space<hbm>>) target_semaphore(%arg8 : memref<!tpu.dma_semaphore, #tpu.memory_space<semaphore_mem>>)
    %add3A_97 = arith.constant 16 : i32
    %add3A_98 = arith.addi %mul3A_2, %add3A_97 : i32
    %dma_wait3A_99 = arith.constant 16 : i32
    %dma_wait3A_100 = arith.constant 0 : i32
    %dma_wait3A_101 = tpu.memref_slice %arg4[%dma_wait3A_99, %dma_wait3A_100] : memref<32x2048xf32, #tpu.memory_space<vmem>> -> memref<16x2048xf32, #tpu.memory_space<vmem>>
    %dma_wait3A_102 = arith.constant 0 : i32
    %dma_wait3A_103 = tpu.memref_slice %arg3[%add3A_98, %dma_wait3A_102] : memref<8192x2048xf32, #tpu.memory_space<hbm>> -> memref<16x2048xf32, #tpu.memory_space<hbm>>
    %dma_wait3A_104 = arith.constant 0 : i32
    %dma_wait3A_105 = tpu.memref_slice %arg3[%add3A_98, %dma_wait3A_104] : memref<8192x2048xf32, #tpu.memory_space<hbm>> -> memref<16x2048xf32, #tpu.memory_space<hbm>>
    %dma_wait3A_106 = arith.constant 16 : i32
    %dma_wait3A_107 = arith.constant 0 : i32
    %dma_wait3A_108 = tpu.memref_slice %arg4[%dma_wait3A_106, %dma_wait3A_107] : memref<32x2048xf32, #tpu.memory_space<vmem>> -> memref<16x2048xf32, #tpu.memory_space<vmem>>
    tpu.wait_dma2 semaphore(%arg8 : memref<!tpu.dma_semaphore, #tpu.memory_space<semaphore_mem>>) src(%dma_wait3A_108 : memref<16x2048xf32, #tpu.memory_space<vmem>>) dst(%dma_wait3A_105 : memref<16x2048xf32, #tpu.memory_space<hbm>>)
    %add3A_109 = arith.constant 48 : i32
    %add3A_110 = arith.addi %mul3A_2, %add3A_109 : i32
    %dma_start3A_111 = arith.constant 16 : i32
    %dma_start3A_112 = arith.constant 0 : i32
    %dma_start3A_113 = tpu.memref_slice %arg4[%dma_start3A_111, %dma_start3A_112] : memref<32x2048xf32, #tpu.memory_space<vmem>> -> memref<16x2048xf32, #tpu.memory_space<vmem>>
    %dma_start3A_114 = arith.constant 0 : i32
    %dma_start3A_115 = tpu.memref_slice %arg2[%add3A_110, %dma_start3A_114] : memref<8192x2048xf32, #tpu.memory_space<hbm>> -> memref<16x2048xf32, #tpu.memory_space<hbm>>
    %dma_start3A_116 = arith.constant 16 : i32
    %dma_start3A_117 = arith.constant 0 : i32
    %dma_start3A_118 = tpu.memref_slice %arg4[%dma_start3A_116, %dma_start3A_117] : memref<32x2048xf32, #tpu.memory_space<vmem>> -> memref<16x2048xf32, #tpu.memory_space<vmem>>
    %dma_start3A_119 = arith.constant 0 : i32
    %dma_start3A_120 = tpu.memref_slice %arg2[%add3A_110, %dma_start3A_119] : memref<8192x2048xf32, #tpu.memory_space<hbm>> -> memref<16x2048xf32, #tpu.memory_space<hbm>>
    tpu.enqueue_dma source(%dma_start3A_120 : memref<16x2048xf32, #tpu.memory_space<hbm>>) target(%dma_start3A_118 : memref<16x2048xf32, #tpu.memory_space<vmem>>) target_semaphore(%arg6 : memref<!tpu.dma_semaphore, #tpu.memory_space<semaphore_mem>>)
    %add3A_121 = arith.constant 32 : i32
    %add3A_122 = arith.addi %mul3A_2, %add3A_121 : i32
    %dma_wait3A_123 = arith.constant 0 : i32
    %dma_wait3A_124 = arith.constant 0 : i32
    %dma_wait3A_125 = tpu.memref_slice %arg4[%dma_wait3A_123, %dma_wait3A_124] : memref<32x2048xf32, #tpu.memory_space<vmem>> -> memref<16x2048xf32, #tpu.memory_space<vmem>>
    %dma_wait3A_126 = arith.constant 0 : i32
    %dma_wait3A_127 = tpu.memref_slice %arg2[%add3A_122, %dma_wait3A_126] : memref<8192x2048xf32, #tpu.memory_space<hbm>> -> memref<16x2048xf32, #tpu.memory_space<hbm>>
    %dma_wait3A_128 = arith.constant 0 : i32
    %dma_wait3A_129 = arith.constant 0 : i32
    %dma_wait3A_130 = tpu.memref_slice %arg4[%dma_wait3A_128, %dma_wait3A_129] : memref<32x2048xf32, #tpu.memory_space<vmem>> -> memref<16x2048xf32, #tpu.memory_space<vmem>>
    %dma_wait3A_131 = arith.constant 0 : i32
    %dma_wait3A_132 = tpu.memref_slice %arg2[%add3A_122, %dma_wait3A_131] : memref<8192x2048xf32, #tpu.memory_space<hbm>> -> memref<16x2048xf32, #tpu.memory_space<hbm>>
    tpu.wait_dma2 semaphore(%arg5 : memref<!tpu.dma_semaphore, #tpu.memory_space<semaphore_mem>>) src(%dma_wait3A_132 : memref<16x2048xf32, #tpu.memory_space<hbm>>) dst(%dma_wait3A_130 : memref<16x2048xf32, #tpu.memory_space<vmem>>)
    %add3A_133 = arith.constant 32 : i32
    %add3A_134 = arith.addi %mul3A_2, %add3A_133 : i32
    %dma_start3A_135 = arith.constant 0 : i32
    %dma_start3A_136 = arith.constant 0 : i32
    %dma_start3A_137 = tpu.memref_slice %arg4[%dma_start3A_135, %dma_start3A_136] : memref<32x2048xf32, #tpu.memory_space<vmem>> -> memref<16x2048xf32, #tpu.memory_space<vmem>>
    %dma_start3A_138 = arith.constant 0 : i32
    %dma_start3A_139 = tpu.memref_slice %arg3[%add3A_134, %dma_start3A_138] : memref<8192x2048xf32, #tpu.memory_space<hbm>> -> memref<16x2048xf32, #tpu.memory_space<hbm>>
    %dma_start3A_140 = arith.constant 0 : i32
    %dma_start3A_141 = tpu.memref_slice %arg3[%add3A_134, %dma_start3A_140] : memref<8192x2048xf32, #tpu.memory_space<hbm>> -> memref<16x2048xf32, #tpu.memory_space<hbm>>
    %dma_start3A_142 = arith.constant 0 : i32
    %dma_start3A_143 = arith.constant 0 : i32
    %dma_start3A_144 = tpu.memref_slice %arg4[%dma_start3A_142, %dma_start3A_143] : memref<32x2048xf32, #tpu.memory_space<vmem>> -> memref<16x2048xf32, #tpu.memory_space<vmem>>
    tpu.enqueue_dma source(%dma_start3A_144 : memref<16x2048xf32, #tpu.memory_space<vmem>>) target(%dma_start3A_141 : memref<16x2048xf32, #tpu.memory_space<hbm>>) target_semaphore(%arg7 : memref<!tpu.dma_semaphore, #tpu.memory_space<semaphore_mem>>)
    %add3A_145 = arith.constant 32 : i32
    %add3A_146 = arith.addi %mul3A_2, %add3A_145 : i32
    %dma_wait3A_147 = arith.constant 0 : i32
    %dma_wait3A_148 = arith.constant 0 : i32
    %dma_wait3A_149 = tpu.memref_slice %arg4[%dma_wait3A_147, %dma_wait3A_148] : memref<32x2048xf32, #tpu.memory_space<vmem>> -> memref<16x2048xf32, #tpu.memory_space<vmem>>
    %dma_wait3A_150 = arith.constant 0 : i32
    %dma_wait3A_151 = tpu.memref_slice %arg3[%add3A_146, %dma_wait3A_150] : memref<8192x2048xf32, #tpu.memory_space<hbm>> -> memref<16x2048xf32, #tpu.memory_space<hbm>>
    %dma_wait3A_152 = arith.constant 0 : i32
    %dma_wait3A_153 = tpu.memref_slice %arg3[%add3A_146, %dma_wait3A_152] : memref<8192x2048xf32, #tpu.memory_space<hbm>> -> memref<16x2048xf32, #tpu.memory_space<hbm>>
    %dma_wait3A_154 = arith.constant 0 : i32
    %dma_wait3A_155 = arith.constant 0 : i32
    %dma_wait3A_156 = tpu.memref_slice %arg4[%dma_wait3A_154, %dma_wait3A_155] : memref<32x2048xf32, #tpu.memory_space<vmem>> -> memref<16x2048xf32, #tpu.memory_space<vmem>>
    tpu.wait_dma2 semaphore(%arg7 : memref<!tpu.dma_semaphore, #tpu.memory_space<semaphore_mem>>) src(%dma_wait3A_156 : memref<16x2048xf32, #tpu.memory_space<vmem>>) dst(%dma_wait3A_153 : memref<16x2048xf32, #tpu.memory_space<hbm>>)
    %add3A_157 = arith.constant 64 : i32
    %add3A_158 = arith.addi %mul3A_2, %add3A_157 : i32
    %dma_start3A_159 = arith.constant 0 : i32
    %dma_start3A_160 = arith.constant 0 : i32
    %dma_start3A_161 = tpu.memref_slice %arg4[%dma_start3A_159, %dma_start3A_160] : memref<32x2048xf32, #tpu.memory_space<vmem>> -> memref<16x2048xf32, #tpu.memory_space<vmem>>
    %dma_start3A_162 = arith.constant 0 : i32
    %dma_start3A_163 = tpu.memref_slice %arg2[%add3A_158, %dma_start3A_162] : memref<8192x2048xf32, #tpu.memory_space<hbm>> -> memref<16x2048xf32, #tpu.memory_space<hbm>>
    %dma_start3A_164 = arith.constant 0 : i32
    %dma_start3A_165 = arith.constant 0 : i32
    %dma_start3A_166 = tpu.memref_slice %arg4[%dma_start3A_164, %dma_start3A_165] : memref<32x2048xf32, #tpu.memory_space<vmem>> -> memref<16x2048xf32, #tpu.memory_space<vmem>>
    %dma_start3A_167 = arith.constant 0 : i32
    %dma_start3A_168 = tpu.memref_slice %arg2[%add3A_158, %dma_start3A_167] : memref<8192x2048xf32, #tpu.memory_space<hbm>> -> memref<16x2048xf32, #tpu.memory_space<hbm>>
    tpu.enqueue_dma source(%dma_start3A_168 : memref<16x2048xf32, #tpu.memory_space<hbm>>) target(%dma_start3A_166 : memref<16x2048xf32, #tpu.memory_space<vmem>>) target_semaphore(%arg5 : memref<!tpu.dma_semaphore, #tpu.memory_space<semaphore_mem>>)
    %add3A_169 = arith.constant 48 : i32
    %add3A_170 = arith.addi %mul3A_2, %add3A_169 : i32
    %dma_wait3A_171 = arith.constant 16 : i32
    %dma_wait3A_172 = arith.constant 0 : i32
    %dma_wait3A_173 = tpu.memref_slice %arg4[%dma_wait3A_171, %dma_wait3A_172] : memref<32x2048xf32, #tpu.memory_space<vmem>> -> memref<16x2048xf32, #tpu.memory_space<vmem>>
    %dma_wait3A_174 = arith.constant 0 : i32
    %dma_wait3A_175 = tpu.memref_slice %arg2[%add3A_170, %dma_wait3A_174] : memref<8192x2048xf32, #tpu.memory_space<hbm>> -> memref<16x2048xf32, #tpu.memory_space<hbm>>
    %dma_wait3A_176 = arith.constant 16 : i32
    %dma_wait3A_177 = arith.constant 0 : i32
    %dma_wait3A_178 = tpu.memref_slice %arg4[%dma_wait3A_176, %dma_wait3A_177] : memref<32x2048xf32, #tpu.memory_space<vmem>> -> memref<16x2048xf32, #tpu.memory_space<vmem>>
    %dma_wait3A_179 = arith.constant 0 : i32
    %dma_wait3A_180 = tpu.memref_slice %arg2[%add3A_170, %dma_wait3A_179] : memref<8192x2048xf32, #tpu.memory_space<hbm>> -> memref<16x2048xf32, #tpu.memory_space<hbm>>
    tpu.wait_dma2 semaphore(%arg6 : memref<!tpu.dma_semaphore, #tpu.memory_space<semaphore_mem>>) src(%dma_wait3A_180 : memref<16x2048xf32, #tpu.memory_space<hbm>>) dst(%dma_wait3A_178 : memref<16x2048xf32, #tpu.memory_space<vmem>>)
    %add3A_181 = arith.constant 48 : i32
    %add3A_182 = arith.addi %mul3A_2, %add3A_181 : i32
    %dma_start3A_183 = arith.constant 16 : i32
    %dma_start3A_184 = arith.constant 0 : i32
    %dma_start3A_185 = tpu.memref_slice %arg4[%dma_start3A_183, %dma_start3A_184] : memref<32x2048xf32, #tpu.memory_space<vmem>> -> memref<16x2048xf32, #tpu.memory_space<vmem>>
    %dma_start3A_186 = arith.constant 0 : i32
    %dma_start3A_187 = tpu.memref_slice %arg3[%add3A_182, %dma_start3A_186] : memref<8192x2048xf32, #tpu.memory_space<hbm>> -> memref<16x2048xf32, #tpu.memory_space<hbm>>
    %dma_start3A_188 = arith.constant 0 : i32
    %dma_start3A_189 = tpu.memref_slice %arg3[%add3A_182, %dma_start3A_188] : memref<8192x2048xf32, #tpu.memory_space<hbm>> -> memref<16x2048xf32, #tpu.memory_space<hbm>>
    %dma_start3A_190 = arith.constant 16 : i32
    %dma_start3A_191 = arith.constant 0 : i32
    %dma_start3A_192 = tpu.memref_slice %arg4[%dma_start3A_190, %dma_start3A_191] : memref<32x2048xf32, #tpu.memory_space<vmem>> -> memref<16x2048xf32, #tpu.memory_space<vmem>>
    tpu.enqueue_dma source(%dma_start3A_192 : memref<16x2048xf32, #tpu.memory_space<vmem>>) target(%dma_start3A_189 : memref<16x2048xf32, #tpu.memory_space<hbm>>) target_semaphore(%arg8 : memref<!tpu.dma_semaphore, #tpu.memory_space<semaphore_mem>>)
    %add3A_193 = arith.constant 48 : i32
    %add3A_194 = arith.addi %mul3A_2, %add3A_193 : i32
    %dma_wait3A_195 = arith.constant 16 : i32
    %dma_wait3A_196 = arith.constant 0 : i32
    %dma_wait3A_197 = tpu.memref_slice %arg4[%dma_wait3A_195, %dma_wait3A_196] : memref<32x2048xf32, #tpu.memory_space<vmem>> -> memref<16x2048xf32, #tpu.memory_space<vmem>>
    %dma_wait3A_198 = arith.constant 0 : i32
    %dma_wait3A_199 = tpu.memref_slice %arg3[%add3A_194, %dma_wait3A_198] : memref<8192x2048xf32, #tpu.memory_space<hbm>> -> memref<16x2048xf32, #tpu.memory_space<hbm>>
    %dma_wait3A_200 = arith.constant 0 : i32
    %dma_wait3A_201 = tpu.memref_slice %arg3[%add3A_194, %dma_wait3A_200] : memref<8192x2048xf32, #tpu.memory_space<hbm>> -> memref<16x2048xf32, #tpu.memory_space<hbm>>
    %dma_wait3A_202 = arith.constant 16 : i32
    %dma_wait3A_203 = arith.constant 0 : i32
    %dma_wait3A_204 = tpu.memref_slice %arg4[%dma_wait3A_202, %dma_wait3A_203] : memref<32x2048xf32, #tpu.memory_space<vmem>> -> memref<16x2048xf32, #tpu.memory_space<vmem>>
    tpu.wait_dma2 semaphore(%arg8 : memref<!tpu.dma_semaphore, #tpu.memory_space<semaphore_mem>>) src(%dma_wait3A_204 : memref<16x2048xf32, #tpu.memory_space<vmem>>) dst(%dma_wait3A_201 : memref<16x2048xf32, #tpu.memory_space<hbm>>)
    %add3A_205 = arith.constant 80 : i32
    %add3A_206 = arith.addi %mul3A_2, %add3A_205 : i32
    %dma_start3A_207 = arith.constant 16 : i32
    %dma_start3A_208 = arith.constant 0 : i32
    %dma_start3A_209 = tpu.memref_slice %arg4[%dma_start3A_207, %dma_start3A_208] : memref<32x2048xf32, #tpu.memory_space<vmem>> -> memref<16x2048xf32, #tpu.memory_space<vmem>>
    %dma_start3A_210 = arith.constant 0 : i32
    %dma_start3A_211 = tpu.memref_slice %arg2[%add3A_206, %dma_start3A_210] : memref<8192x2048xf32, #tpu.memory_space<hbm>> -> memref<16x2048xf32, #tpu.memory_space<hbm>>
    %dma_start3A_212 = arith.constant 16 : i32
    %dma_start3A_213 = arith.constant 0 : i32
    %dma_start3A_214 = tpu.memref_slice %arg4[%dma_start3A_212, %dma_start3A_213] : memref<32x2048xf32, #tpu.memory_space<vmem>> -> memref<16x2048xf32, #tpu.memory_space<vmem>>
    %dma_start3A_215 = arith.constant 0 : i32
    %dma_start3A_216 = tpu.memref_slice %arg2[%add3A_206, %dma_start3A_215] : memref<8192x2048xf32, #tpu.memory_space<hbm>> -> memref<16x2048xf32, #tpu.memory_space<hbm>>
    tpu.enqueue_dma source(%dma_start3A_216 : memref<16x2048xf32, #tpu.memory_space<hbm>>) target(%dma_start3A_214 : memref<16x2048xf32, #tpu.memory_space<vmem>>) target_semaphore(%arg6 : memref<!tpu.dma_semaphore, #tpu.memory_space<semaphore_mem>>)
    %add3A_217 = arith.constant 64 : i32
    %add3A_218 = arith.addi %mul3A_2, %add3A_217 : i32
    %dma_wait3A_219 = arith.constant 0 : i32
    %dma_wait3A_220 = arith.constant 0 : i32
    %dma_wait3A_221 = tpu.memref_slice %arg4[%dma_wait3A_219, %dma_wait3A_220] : memref<32x2048xf32, #tpu.memory_space<vmem>> -> memref<16x2048xf32, #tpu.memory_space<vmem>>
    %dma_wait3A_222 = arith.constant 0 : i32
    %dma_wait3A_223 = tpu.memref_slice %arg2[%add3A_218, %dma_wait3A_222] : memref<8192x2048xf32, #tpu.memory_space<hbm>> -> memref<16x2048xf32, #tpu.memory_space<hbm>>
    %dma_wait3A_224 = arith.constant 0 : i32
    %dma_wait3A_225 = arith.constant 0 : i32
    %dma_wait3A_226 = tpu.memref_slice %arg4[%dma_wait3A_224, %dma_wait3A_225] : memref<32x2048xf32, #tpu.memory_space<vmem>> -> memref<16x2048xf32, #tpu.memory_space<vmem>>
    %dma_wait3A_227 = arith.constant 0 : i32
    %dma_wait3A_228 = tpu.memref_slice %arg2[%add3A_218, %dma_wait3A_227] : memref<8192x2048xf32, #tpu.memory_space<hbm>> -> memref<16x2048xf32, #tpu.memory_space<hbm>>
    tpu.wait_dma2 semaphore(%arg5 : memref<!tpu.dma_semaphore, #tpu.memory_space<semaphore_mem>>) src(%dma_wait3A_228 : memref<16x2048xf32, #tpu.memory_space<hbm>>) dst(%dma_wait3A_226 : memref<16x2048xf32, #tpu.memory_space<vmem>>)
    %add3A_229 = arith.constant 64 : i32
    %add3A_230 = arith.addi %mul3A_2, %add3A_229 : i32
    %dma_start3A_231 = arith.constant 0 : i32
    %dma_start3A_232 = arith.constant 0 : i32
    %dma_start3A_233 = tpu.memref_slice %arg4[%dma_start3A_231, %dma_start3A_232] : memref<32x2048xf32, #tpu.memory_space<vmem>> -> memref<16x2048xf32, #tpu.memory_space<vmem>>
    %dma_start3A_234 = arith.constant 0 : i32
    %dma_start3A_235 = tpu.memref_slice %arg3[%add3A_230, %dma_start3A_234] : memref<8192x2048xf32, #tpu.memory_space<hbm>> -> memref<16x2048xf32, #tpu.memory_space<hbm>>
    %dma_start3A_236 = arith.constant 0 : i32
    %dma_start3A_237 = tpu.memref_slice %arg3[%add3A_230, %dma_start3A_236] : memref<8192x2048xf32, #tpu.memory_space<hbm>> -> memref<16x2048xf32, #tpu.memory_space<hbm>>
    %dma_start3A_238 = arith.constant 0 : i32
    %dma_start3A_239 = arith.constant 0 : i32
    %dma_start3A_240 = tpu.memref_slice %arg4[%dma_start3A_238, %dma_start3A_239] : memref<32x2048xf32, #tpu.memory_space<vmem>> -> memref<16x2048xf32, #tpu.memory_space<vmem>>
    tpu.enqueue_dma source(%dma_start3A_240 : memref<16x2048xf32, #tpu.memory_space<vmem>>) target(%dma_start3A_237 : memref<16x2048xf32, #tpu.memory_space<hbm>>) target_semaphore(%arg7 : memref<!tpu.dma_semaphore, #tpu.memory_space<semaphore_mem>>)
    %add3A_241 = arith.constant 64 : i32
    %add3A_242 = arith.addi %mul3A_2, %add3A_241 : i32
    %dma_wait3A_243 = arith.constant 0 : i32
    %dma_wait3A_244 = arith.constant 0 : i32
    %dma_wait3A_245 = tpu.memref_slice %arg4[%dma_wait3A_243, %dma_wait3A_244] : memref<32x2048xf32, #tpu.memory_space<vmem>> -> memref<16x2048xf32, #tpu.memory_space<vmem>>
    %dma_wait3A_246 = arith.constant 0 : i32
    %dma_wait3A_247 = tpu.memref_slice %arg3[%add3A_242, %dma_wait3A_246] : memref<8192x2048xf32, #tpu.memory_space<hbm>> -> memref<16x2048xf32, #tpu.memory_space<hbm>>
    %dma_wait3A_248 = arith.constant 0 : i32
    %dma_wait3A_249 = tpu.memref_slice %arg3[%add3A_242, %dma_wait3A_248] : memref<8192x2048xf32, #tpu.memory_space<hbm>> -> memref<16x2048xf32, #tpu.memory_space<hbm>>
    %dma_wait3A_250 = arith.constant 0 : i32
    %dma_wait3A_251 = arith.constant 0 : i32
    %dma_wait3A_252 = tpu.memref_slice %arg4[%dma_wait3A_250, %dma_wait3A_251] : memref<32x2048xf32, #tpu.memory_space<vmem>> -> memref<16x2048xf32, #tpu.memory_space<vmem>>
    tpu.wait_dma2 semaphore(%arg7 : memref<!tpu.dma_semaphore, #tpu.memory_space<semaphore_mem>>) src(%dma_wait3A_252 : memref<16x2048xf32, #tpu.memory_space<vmem>>) dst(%dma_wait3A_249 : memref<16x2048xf32, #tpu.memory_space<hbm>>)
    %add3A_253 = arith.constant 96 : i32
    %add3A_254 = arith.addi %mul3A_2, %add3A_253 : i32
    %dma_start3A_255 = arith.constant 0 : i32
    %dma_start3A_256 = arith.constant 0 : i32
    %dma_start3A_257 = tpu.memref_slice %arg4[%dma_start3A_255, %dma_start3A_256] : memref<32x2048xf32, #tpu.memory_space<vmem>> -> memref<16x2048xf32, #tpu.memory_space<vmem>>
    %dma_start3A_258 = arith.constant 0 : i32
    %dma_start3A_259 = tpu.memref_slice %arg2[%add3A_254, %dma_start3A_258] : memref<8192x2048xf32, #tpu.memory_space<hbm>> -> memref<16x2048xf32, #tpu.memory_space<hbm>>
    %dma_start3A_260 = arith.constant 0 : i32
    %dma_start3A_261 = arith.constant 0 : i32
    %dma_start3A_262 = tpu.memref_slice %arg4[%dma_start3A_260, %dma_start3A_261] : memref<32x2048xf32, #tpu.memory_space<vmem>> -> memref<16x2048xf32, #tpu.memory_space<vmem>>
    %dma_start3A_263 = arith.constant 0 : i32
    %dma_start3A_264 = tpu.memref_slice %arg2[%add3A_254, %dma_start3A_263] : memref<8192x2048xf32, #tpu.memory_space<hbm>> -> memref<16x2048xf32, #tpu.memory_space<hbm>>
    tpu.enqueue_dma source(%dma_start3A_264 : memref<16x2048xf32, #tpu.memory_space<hbm>>) target(%dma_start3A_262 : memref<16x2048xf32, #tpu.memory_space<vmem>>) target_semaphore(%arg5 : memref<!tpu.dma_semaphore, #tpu.memory_space<semaphore_mem>>)
    %add3A_265 = arith.constant 80 : i32
    %add3A_266 = arith.addi %mul3A_2, %add3A_265 : i32
    %dma_wait3A_267 = arith.constant 16 : i32
    %dma_wait3A_268 = arith.constant 0 : i32
    %dma_wait3A_269 = tpu.memref_slice %arg4[%dma_wait3A_267, %dma_wait3A_268] : memref<32x2048xf32, #tpu.memory_space<vmem>> -> memref<16x2048xf32, #tpu.memory_space<vmem>>
    %dma_wait3A_270 = arith.constant 0 : i32
    %dma_wait3A_271 = tpu.memref_slice %arg2[%add3A_266, %dma_wait3A_270] : memref<8192x2048xf32, #tpu.memory_space<hbm>> -> memref<16x2048xf32, #tpu.memory_space<hbm>>
    %dma_wait3A_272 = arith.constant 16 : i32
    %dma_wait3A_273 = arith.constant 0 : i32
    %dma_wait3A_274 = tpu.memref_slice %arg4[%dma_wait3A_272, %dma_wait3A_273] : memref<32x2048xf32, #tpu.memory_space<vmem>> -> memref<16x2048xf32, #tpu.memory_space<vmem>>
    %dma_wait3A_275 = arith.constant 0 : i32
    %dma_wait3A_276 = tpu.memref_slice %arg2[%add3A_266, %dma_wait3A_275] : memref<8192x2048xf32, #tpu.memory_space<hbm>> -> memref<16x2048xf32, #tpu.memory_space<hbm>>
    tpu.wait_dma2 semaphore(%arg6 : memref<!tpu.dma_semaphore, #tpu.memory_space<semaphore_mem>>) src(%dma_wait3A_276 : memref<16x2048xf32, #tpu.memory_space<hbm>>) dst(%dma_wait3A_274 : memref<16x2048xf32, #tpu.memory_space<vmem>>)
    %add3A_277 = arith.constant 80 : i32
    %add3A_278 = arith.addi %mul3A_2, %add3A_277 : i32
    %dma_start3A_279 = arith.constant 16 : i32
    %dma_start3A_280 = arith.constant 0 : i32
    %dma_start3A_281 = tpu.memref_slice %arg4[%dma_start3A_279, %dma_start3A_280] : memref<32x2048xf32, #tpu.memory_space<vmem>> -> memref<16x2048xf32, #tpu.memory_space<vmem>>
    %dma_start3A_282 = arith.constant 0 : i32
    %dma_start3A_283 = tpu.memref_slice %arg3[%add3A_278, %dma_start3A_282] : memref<8192x2048xf32, #tpu.memory_space<hbm>> -> memref<16x2048xf32, #tpu.memory_space<hbm>>
    %dma_start3A_284 = arith.constant 0 : i32
    %dma_start3A_285 = tpu.memref_slice %arg3[%add3A_278, %dma_start3A_284] : memref<8192x2048xf32, #tpu.memory_space<hbm>> -> memref<16x2048xf32, #tpu.memory_space<hbm>>
    %dma_start3A_286 = arith.constant 16 : i32
    %dma_start3A_287 = arith.constant 0 : i32
    %dma_start3A_288 = tpu.memref_slice %arg4[%dma_start3A_286, %dma_start3A_287] : memref<32x2048xf32, #tpu.memory_space<vmem>> -> memref<16x2048xf32, #tpu.memory_space<vmem>>
    tpu.enqueue_dma source(%dma_start3A_288 : memref<16x2048xf32, #tpu.memory_space<vmem>>) target(%dma_start3A_285 : memref<16x2048xf32, #tpu.memory_space<hbm>>) target_semaphore(%arg8 : memref<!tpu.dma_semaphore, #tpu.memory_space<semaphore_mem>>)
    %add3A_289 = arith.constant 80 : i32
    %add3A_290 = arith.addi %mul3A_2, %add3A_289 : i32
    %dma_wait3A_291 = arith.constant 16 : i32
    %dma_wait3A_292 = arith.constant 0 : i32
    %dma_wait3A_293 = tpu.memref_slice %arg4[%dma_wait3A_291, %dma_wait3A_292] : memref<32x2048xf32, #tpu.memory_space<vmem>> -> memref<16x2048xf32, #tpu.memory_space<vmem>>
    %dma_wait3A_294 = arith.constant 0 : i32
    %dma_wait3A_295 = tpu.memref_slice %arg3[%add3A_290, %dma_wait3A_294] : memref<8192x2048xf32, #tpu.memory_space<hbm>> -> memref<16x2048xf32, #tpu.memory_space<hbm>>
    %dma_wait3A_296 = arith.constant 0 : i32
    %dma_wait3A_297 = tpu.memref_slice %arg3[%add3A_290, %dma_wait3A_296] : memref<8192x2048xf32, #tpu.memory_space<hbm>> -> memref<16x2048xf32, #tpu.memory_space<hbm>>
    %dma_wait3A_298 = arith.constant 16 : i32
    %dma_wait3A_299 = arith.constant 0 : i32
    %dma_wait3A_300 = tpu.memref_slice %arg4[%dma_wait3A_298, %dma_wait3A_299] : memref<32x2048xf32, #tpu.memory_space<vmem>> -> memref<16x2048xf32, #tpu.memory_space<vmem>>
    tpu.wait_dma2 semaphore(%arg8 : memref<!tpu.dma_semaphore, #tpu.memory_space<semaphore_mem>>) src(%dma_wait3A_300 : memref<16x2048xf32, #tpu.memory_space<vmem>>) dst(%dma_wait3A_297 : memref<16x2048xf32, #tpu.memory_space<hbm>>)
    %add3A_301 = arith.constant 112 : i32
    %add3A_302 = arith.addi %mul3A_2, %add3A_301 : i32
    %dma_start3A_303 = arith.constant 16 : i32
    %dma_start3A_304 = arith.constant 0 : i32
    %dma_start3A_305 = tpu.memref_slice %arg4[%dma_start3A_303, %dma_start3A_304] : memref<32x2048xf32, #tpu.memory_space<vmem>> -> memref<16x2048xf32, #tpu.memory_space<vmem>>
    %dma_start3A_306 = arith.constant 0 : i32
    %dma_start3A_307 = tpu.memref_slice %arg2[%add3A_302, %dma_start3A_306] : memref<8192x2048xf32, #tpu.memory_space<hbm>> -> memref<16x2048xf32, #tpu.memory_space<hbm>>
    %dma_start3A_308 = arith.constant 16 : i32
    %dma_start3A_309 = arith.constant 0 : i32
    %dma_start3A_310 = tpu.memref_slice %arg4[%dma_start3A_308, %dma_start3A_309] : memref<32x2048xf32, #tpu.memory_space<vmem>> -> memref<16x2048xf32, #tpu.memory_space<vmem>>
    %dma_start3A_311 = arith.constant 0 : i32
    %dma_start3A_312 = tpu.memref_slice %arg2[%add3A_302, %dma_start3A_311] : memref<8192x2048xf32, #tpu.memory_space<hbm>> -> memref<16x2048xf32, #tpu.memory_space<hbm>>
    tpu.enqueue_dma source(%dma_start3A_312 : memref<16x2048xf32, #tpu.memory_space<hbm>>) target(%dma_start3A_310 : memref<16x2048xf32, #tpu.memory_space<vmem>>) target_semaphore(%arg6 : memref<!tpu.dma_semaphore, #tpu.memory_space<semaphore_mem>>)
    %add3A_313 = arith.constant 96 : i32
    %add3A_314 = arith.addi %mul3A_2, %add3A_313 : i32
    %dma_wait3A_315 = arith.constant 0 : i32
    %dma_wait3A_316 = arith.constant 0 : i32
    %dma_wait3A_317 = tpu.memref_slice %arg4[%dma_wait3A_315, %dma_wait3A_316] : memref<32x2048xf32, #tpu.memory_space<vmem>> -> memref<16x2048xf32, #tpu.memory_space<vmem>>
    %dma_wait3A_318 = arith.constant 0 : i32
    %dma_wait3A_319 = tpu.memref_slice %arg2[%add3A_314, %dma_wait3A_318] : memref<8192x2048xf32, #tpu.memory_space<hbm>> -> memref<16x2048xf32, #tpu.memory_space<hbm>>
    %dma_wait3A_320 = arith.constant 0 : i32
    %dma_wait3A_321 = arith.constant 0 : i32
    %dma_wait3A_322 = tpu.memref_slice %arg4[%dma_wait3A_320, %dma_wait3A_321] : memref<32x2048xf32, #tpu.memory_space<vmem>> -> memref<16x2048xf32, #tpu.memory_space<vmem>>
    %dma_wait3A_323 = arith.constant 0 : i32
    %dma_wait3A_324 = tpu.memref_slice %arg2[%add3A_314, %dma_wait3A_323] : memref<8192x2048xf32, #tpu.memory_space<hbm>> -> memref<16x2048xf32, #tpu.memory_space<hbm>>
    tpu.wait_dma2 semaphore(%arg5 : memref<!tpu.dma_semaphore, #tpu.memory_space<semaphore_mem>>) src(%dma_wait3A_324 : memref<16x2048xf32, #tpu.memory_space<hbm>>) dst(%dma_wait3A_322 : memref<16x2048xf32, #tpu.memory_space<vmem>>)
    %add3A_325 = arith.constant 96 : i32
    %add3A_326 = arith.addi %mul3A_2, %add3A_325 : i32
    %dma_start3A_327 = arith.constant 0 : i32
    %dma_start3A_328 = arith.constant 0 : i32
    %dma_start3A_329 = tpu.memref_slice %arg4[%dma_start3A_327, %dma_start3A_328] : memref<32x2048xf32, #tpu.memory_space<vmem>> -> memref<16x2048xf32, #tpu.memory_space<vmem>>
    %dma_start3A_330 = arith.constant 0 : i32
    %dma_start3A_331 = tpu.memref_slice %arg3[%add3A_326, %dma_start3A_330] : memref<8192x2048xf32, #tpu.memory_space<hbm>> -> memref<16x2048xf32, #tpu.memory_space<hbm>>
    %dma_start3A_332 = arith.constant 0 : i32
    %dma_start3A_333 = tpu.memref_slice %arg3[%add3A_326, %dma_start3A_332] : memref<8192x2048xf32, #tpu.memory_space<hbm>> -> memref<16x2048xf32, #tpu.memory_space<hbm>>
    %dma_start3A_334 = arith.constant 0 : i32
    %dma_start3A_335 = arith.constant 0 : i32
    %dma_start3A_336 = tpu.memref_slice %arg4[%dma_start3A_334, %dma_start3A_335] : memref<32x2048xf32, #tpu.memory_space<vmem>> -> memref<16x2048xf32, #tpu.memory_space<vmem>>
    tpu.enqueue_dma source(%dma_start3A_336 : memref<16x2048xf32, #tpu.memory_space<vmem>>) target(%dma_start3A_333 : memref<16x2048xf32, #tpu.memory_space<hbm>>) target_semaphore(%arg7 : memref<!tpu.dma_semaphore, #tpu.memory_space<semaphore_mem>>)
    %add3A_337 = arith.constant 96 : i32
    %add3A_338 = arith.addi %mul3A_2, %add3A_337 : i32
    %dma_wait3A_339 = arith.constant 0 : i32
    %dma_wait3A_340 = arith.constant 0 : i32
    %dma_wait3A_341 = tpu.memref_slice %arg4[%dma_wait3A_339, %dma_wait3A_340] : memref<32x2048xf32, #tpu.memory_space<vmem>> -> memref<16x2048xf32, #tpu.memory_space<vmem>>
    %dma_wait3A_342 = arith.constant 0 : i32
    %dma_wait3A_343 = tpu.memref_slice %arg3[%add3A_338, %dma_wait3A_342] : memref<8192x2048xf32, #tpu.memory_space<hbm>> -> memref<16x2048xf32, #tpu.memory_space<hbm>>
    %dma_wait3A_344 = arith.constant 0 : i32
    %dma_wait3A_345 = tpu.memref_slice %arg3[%add3A_338, %dma_wait3A_344] : memref<8192x2048xf32, #tpu.memory_space<hbm>> -> memref<16x2048xf32, #tpu.memory_space<hbm>>
    %dma_wait3A_346 = arith.constant 0 : i32
    %dma_wait3A_347 = arith.constant 0 : i32
    %dma_wait3A_348 = tpu.memref_slice %arg4[%dma_wait3A_346, %dma_wait3A_347] : memref<32x2048xf32, #tpu.memory_space<vmem>> -> memref<16x2048xf32, #tpu.memory_space<vmem>>
    tpu.wait_dma2 semaphore(%arg7 : memref<!tpu.dma_semaphore, #tpu.memory_space<semaphore_mem>>) src(%dma_wait3A_348 : memref<16x2048xf32, #tpu.memory_space<vmem>>) dst(%dma_wait3A_345 : memref<16x2048xf32, #tpu.memory_space<hbm>>)
    %add3A_349 = arith.constant 128 : i32
    %add3A_350 = arith.addi %mul3A_2, %add3A_349 : i32
    %dma_start3A_351 = arith.constant 0 : i32
    %dma_start3A_352 = arith.constant 0 : i32
    %dma_start3A_353 = tpu.memref_slice %arg4[%dma_start3A_351, %dma_start3A_352] : memref<32x2048xf32, #tpu.memory_space<vmem>> -> memref<16x2048xf32, #tpu.memory_space<vmem>>
    %dma_start3A_354 = arith.constant 0 : i32
    %dma_start3A_355 = tpu.memref_slice %arg2[%add3A_350, %dma_start3A_354] : memref<8192x2048xf32, #tpu.memory_space<hbm>> -> memref<16x2048xf32, #tpu.memory_space<hbm>>
    %dma_start3A_356 = arith.constant 0 : i32
    %dma_start3A_357 = arith.constant 0 : i32
    %dma_start3A_358 = tpu.memref_slice %arg4[%dma_start3A_356, %dma_start3A_357] : memref<32x2048xf32, #tpu.memory_space<vmem>> -> memref<16x2048xf32, #tpu.memory_space<vmem>>
    %dma_start3A_359 = arith.constant 0 : i32
    %dma_start3A_360 = tpu.memref_slice %arg2[%add3A_350, %dma_start3A_359] : memref<8192x2048xf32, #tpu.memory_space<hbm>> -> memref<16x2048xf32, #tpu.memory_space<hbm>>
    tpu.enqueue_dma source(%dma_start3A_360 : memref<16x2048xf32, #tpu.memory_space<hbm>>) target(%dma_start3A_358 : memref<16x2048xf32, #tpu.memory_space<vmem>>) target_semaphore(%arg5 : memref<!tpu.dma_semaphore, #tpu.memory_space<semaphore_mem>>)
    %add3A_361 = arith.constant 112 : i32
    %add3A_362 = arith.addi %mul3A_2, %add3A_361 : i32
    %dma_wait3A_363 = arith.constant 16 : i32
    %dma_wait3A_364 = arith.constant 0 : i32
    %dma_wait3A_365 = tpu.memref_slice %arg4[%dma_wait3A_363, %dma_wait3A_364] : memref<32x2048xf32, #tpu.memory_space<vmem>> -> memref<16x2048xf32, #tpu.memory_space<vmem>>
    %dma_wait3A_366 = arith.constant 0 : i32
    %dma_wait3A_367 = tpu.memref_slice %arg2[%add3A_362, %dma_wait3A_366] : memref<8192x2048xf32, #tpu.memory_space<hbm>> -> memref<16x2048xf32, #tpu.memory_space<hbm>>
    %dma_wait3A_368 = arith.constant 16 : i32
    %dma_wait3A_369 = arith.constant 0 : i32
    %dma_wait3A_370 = tpu.memref_slice %arg4[%dma_wait3A_368, %dma_wait3A_369] : memref<32x2048xf32, #tpu.memory_space<vmem>> -> memref<16x2048xf32, #tpu.memory_space<vmem>>
    %dma_wait3A_371 = arith.constant 0 : i32
    %dma_wait3A_372 = tpu.memref_slice %arg2[%add3A_362, %dma_wait3A_371] : memref<8192x2048xf32, #tpu.memory_space<hbm>> -> memref<16x2048xf32, #tpu.memory_space<hbm>>
    tpu.wait_dma2 semaphore(%arg6 : memref<!tpu.dma_semaphore, #tpu.memory_space<semaphore_mem>>) src(%dma_wait3A_372 : memref<16x2048xf32, #tpu.memory_space<hbm>>) dst(%dma_wait3A_370 : memref<16x2048xf32, #tpu.memory_space<vmem>>)
    %add3A_373 = arith.constant 112 : i32
    %add3A_374 = arith.addi %mul3A_2, %add3A_373 : i32
    %dma_start3A_375 = arith.constant 16 : i32
    %dma_start3A_376 = arith.constant 0 : i32
    %dma_start3A_377 = tpu.memref_slice %arg4[%dma_start3A_375, %dma_start3A_376] : memref<32x2048xf32, #tpu.memory_space<vmem>> -> memref<16x2048xf32, #tpu.memory_space<vmem>>
    %dma_start3A_378 = arith.constant 0 : i32
    %dma_start3A_379 = tpu.memref_slice %arg3[%add3A_374, %dma_start3A_378] : memref<8192x2048xf32, #tpu.memory_space<hbm>> -> memref<16x2048xf32, #tpu.memory_space<hbm>>
    %dma_start3A_380 = arith.constant 0 : i32
    %dma_start3A_381 = tpu.memref_slice %arg3[%add3A_374, %dma_start3A_380] : memref<8192x2048xf32, #tpu.memory_space<hbm>> -> memref<16x2048xf32, #tpu.memory_space<hbm>>
    %dma_start3A_382 = arith.constant 16 : i32
    %dma_start3A_383 = arith.constant 0 : i32
    %dma_start3A_384 = tpu.memref_slice %arg4[%dma_start3A_382, %dma_start3A_383] : memref<32x2048xf32, #tpu.memory_space<vmem>> -> memref<16x2048xf32, #tpu.memory_space<vmem>>
    tpu.enqueue_dma source(%dma_start3A_384 : memref<16x2048xf32, #tpu.memory_space<vmem>>) target(%dma_start3A_381 : memref<16x2048xf32, #tpu.memory_space<hbm>>) target_semaphore(%arg8 : memref<!tpu.dma_semaphore, #tpu.memory_space<semaphore_mem>>)
    %add3A_385 = arith.constant 112 : i32
    %add3A_386 = arith.addi %mul3A_2, %add3A_385 : i32
    %dma_wait3A_387 = arith.constant 16 : i32
    %dma_wait3A_388 = arith.constant 0 : i32
    %dma_wait3A_389 = tpu.memref_slice %arg4[%dma_wait3A_387, %dma_wait3A_388] : memref<32x2048xf32, #tpu.memory_space<vmem>> -> memref<16x2048xf32, #tpu.memory_space<vmem>>
    %dma_wait3A_390 = arith.constant 0 : i32
    %dma_wait3A_391 = tpu.memref_slice %arg3[%add3A_386, %dma_wait3A_390] : memref<8192x2048xf32, #tpu.memory_space<hbm>> -> memref<16x2048xf32, #tpu.memory_space<hbm>>
    %dma_wait3A_392 = arith.constant 0 : i32
    %dma_wait3A_393 = tpu.memref_slice %arg3[%add3A_386, %dma_wait3A_392] : memref<8192x2048xf32, #tpu.memory_space<hbm>> -> memref<16x2048xf32, #tpu.memory_space<hbm>>
    %dma_wait3A_394 = arith.constant 16 : i32
    %dma_wait3A_395 = arith.constant 0 : i32
    %dma_wait3A_396 = tpu.memref_slice %arg4[%dma_wait3A_394, %dma_wait3A_395] : memref<32x2048xf32, #tpu.memory_space<vmem>> -> memref<16x2048xf32, #tpu.memory_space<vmem>>
    tpu.wait_dma2 semaphore(%arg8 : memref<!tpu.dma_semaphore, #tpu.memory_space<semaphore_mem>>) src(%dma_wait3A_396 : memref<16x2048xf32, #tpu.memory_space<vmem>>) dst(%dma_wait3A_393 : memref<16x2048xf32, #tpu.memory_space<hbm>>)
    %add3A_397 = arith.constant 144 : i32
    %add3A_398 = arith.addi %mul3A_2, %add3A_397 : i32
    %dma_start3A_399 = arith.constant 16 : i32
    %dma_start3A_400 = arith.constant 0 : i32
    %dma_start3A_401 = tpu.memref_slice %arg4[%dma_start3A_399, %dma_start3A_400] : memref<32x2048xf32, #tpu.memory_space<vmem>> -> memref<16x2048xf32, #tpu.memory_space<vmem>>
    %dma_start3A_402 = arith.constant 0 : i32
    %dma_start3A_403 = tpu.memref_slice %arg2[%add3A_398, %dma_start3A_402] : memref<8192x2048xf32, #tpu.memory_space<hbm>> -> memref<16x2048xf32, #tpu.memory_space<hbm>>
    %dma_start3A_404 = arith.constant 16 : i32
    %dma_start3A_405 = arith.constant 0 : i32
    %dma_start3A_406 = tpu.memref_slice %arg4[%dma_start3A_404, %dma_start3A_405] : memref<32x2048xf32, #tpu.memory_space<vmem>> -> memref<16x2048xf32, #tpu.memory_space<vmem>>
    %dma_start3A_407 = arith.constant 0 : i32
    %dma_start3A_408 = tpu.memref_slice %arg2[%add3A_398, %dma_start3A_407] : memref<8192x2048xf32, #tpu.memory_space<hbm>> -> memref<16x2048xf32, #tpu.memory_space<hbm>>
    tpu.enqueue_dma source(%dma_start3A_408 : memref<16x2048xf32, #tpu.memory_space<hbm>>) target(%dma_start3A_406 : memref<16x2048xf32, #tpu.memory_space<vmem>>) target_semaphore(%arg6 : memref<!tpu.dma_semaphore, #tpu.memory_space<semaphore_mem>>)
    %add3A_409 = arith.constant 128 : i32
    %add3A_410 = arith.addi %mul3A_2, %add3A_409 : i32
    %dma_wait3A_411 = arith.constant 0 : i32
    %dma_wait3A_412 = arith.constant 0 : i32
    %dma_wait3A_413 = tpu.memref_slice %arg4[%dma_wait3A_411, %dma_wait3A_412] : memref<32x2048xf32, #tpu.memory_space<vmem>> -> memref<16x2048xf32, #tpu.memory_space<vmem>>
    %dma_wait3A_414 = arith.constant 0 : i32
    %dma_wait3A_415 = tpu.memref_slice %arg2[%add3A_410, %dma_wait3A_414] : memref<8192x2048xf32, #tpu.memory_space<hbm>> -> memref<16x2048xf32, #tpu.memory_space<hbm>>
    %dma_wait3A_416 = arith.constant 0 : i32
    %dma_wait3A_417 = arith.constant 0 : i32
    %dma_wait3A_418 = tpu.memref_slice %arg4[%dma_wait3A_416, %dma_wait3A_417] : memref<32x2048xf32, #tpu.memory_space<vmem>> -> memref<16x2048xf32, #tpu.memory_space<vmem>>
    %dma_wait3A_419 = arith.constant 0 : i32
    %dma_wait3A_420 = tpu.memref_slice %arg2[%add3A_410, %dma_wait3A_419] : memref<8192x2048xf32, #tpu.memory_space<hbm>> -> memref<16x2048xf32, #tpu.memory_space<hbm>>
    tpu.wait_dma2 semaphore(%arg5 : memref<!tpu.dma_semaphore, #tpu.memory_space<semaphore_mem>>) src(%dma_wait3A_420 : memref<16x2048xf32, #tpu.memory_space<hbm>>) dst(%dma_wait3A_418 : memref<16x2048xf32, #tpu.memory_space<vmem>>)
    %add3A_421 = arith.constant 128 : i32
    %add3A_422 = arith.addi %mul3A_2, %add3A_421 : i32
    %dma_start3A_423 = arith.constant 0 : i32
    %dma_start3A_424 = arith.constant 0 : i32
    %dma_start3A_425 = tpu.memref_slice %arg4[%dma_start3A_423, %dma_start3A_424] : memref<32x2048xf32, #tpu.memory_space<vmem>> -> memref<16x2048xf32, #tpu.memory_space<vmem>>
    %dma_start3A_426 = arith.constant 0 : i32
    %dma_start3A_427 = tpu.memref_slice %arg3[%add3A_422, %dma_start3A_426] : memref<8192x2048xf32, #tpu.memory_space<hbm>> -> memref<16x2048xf32, #tpu.memory_space<hbm>>
    %dma_start3A_428 = arith.constant 0 : i32
    %dma_start3A_429 = tpu.memref_slice %arg3[%add3A_422, %dma_start3A_428] : memref<8192x2048xf32, #tpu.memory_space<hbm>> -> memref<16x2048xf32, #tpu.memory_space<hbm>>
    %dma_start3A_430 = arith.constant 0 : i32
    %dma_start3A_431 = arith.constant 0 : i32
    %dma_start3A_432 = tpu.memref_slice %arg4[%dma_start3A_430, %dma_start3A_431] : memref<32x2048xf32, #tpu.memory_space<vmem>> -> memref<16x2048xf32, #tpu.memory_space<vmem>>
    tpu.enqueue_dma source(%dma_start3A_432 : memref<16x2048xf32, #tpu.memory_space<vmem>>) target(%dma_start3A_429 : memref<16x2048xf32, #tpu.memory_space<hbm>>) target_semaphore(%arg7 : memref<!tpu.dma_semaphore, #tpu.memory_space<semaphore_mem>>)
    %add3A_433 = arith.constant 128 : i32
    %add3A_434 = arith.addi %mul3A_2, %add3A_433 : i32
    %dma_wait3A_435 = arith.constant 0 : i32
    %dma_wait3A_436 = arith.constant 0 : i32
    %dma_wait3A_437 = tpu.memref_slice %arg4[%dma_wait3A_435, %dma_wait3A_436] : memref<32x2048xf32, #tpu.memory_space<vmem>> -> memref<16x2048xf32, #tpu.memory_space<vmem>>
    %dma_wait3A_438 = arith.constant 0 : i32
    %dma_wait3A_439 = tpu.memref_slice %arg3[%add3A_434, %dma_wait3A_438] : memref<8192x2048xf32, #tpu.memory_space<hbm>> -> memref<16x2048xf32, #tpu.memory_space<hbm>>
    %dma_wait3A_440 = arith.constant 0 : i32
    %dma_wait3A_441 = tpu.memref_slice %arg3[%add3A_434, %dma_wait3A_440] : memref<8192x2048xf32, #tpu.memory_space<hbm>> -> memref<16x2048xf32, #tpu.memory_space<hbm>>
    %dma_wait3A_442 = arith.constant 0 : i32
    %dma_wait3A_443 = arith.constant 0 : i32
    %dma_wait3A_444 = tpu.memref_slice %arg4[%dma_wait3A_442, %dma_wait3A_443] : memref<32x2048xf32, #tpu.memory_space<vmem>> -> memref<16x2048xf32, #tpu.memory_space<vmem>>
    tpu.wait_dma2 semaphore(%arg7 : memref<!tpu.dma_semaphore, #tpu.memory_space<semaphore_mem>>) src(%dma_wait3A_444 : memref<16x2048xf32, #tpu.memory_space<vmem>>) dst(%dma_wait3A_441 : memref<16x2048xf32, #tpu.memory_space<hbm>>)
    %add3A_445 = arith.constant 160 : i32
    %add3A_446 = arith.addi %mul3A_2, %add3A_445 : i32
    %dma_start3A_447 = arith.constant 0 : i32
    %dma_start3A_448 = arith.constant 0 : i32
    %dma_start3A_449 = tpu.memref_slice %arg4[%dma_start3A_447, %dma_start3A_448] : memref<32x2048xf32, #tpu.memory_space<vmem>> -> memref<16x2048xf32, #tpu.memory_space<vmem>>
    %dma_start3A_450 = arith.constant 0 : i32
    %dma_start3A_451 = tpu.memref_slice %arg2[%add3A_446, %dma_start3A_450] : memref<8192x2048xf32, #tpu.memory_space<hbm>> -> memref<16x2048xf32, #tpu.memory_space<hbm>>
    %dma_start3A_452 = arith.constant 0 : i32
    %dma_start3A_453 = arith.constant 0 : i32
    %dma_start3A_454 = tpu.memref_slice %arg4[%dma_start3A_452, %dma_start3A_453] : memref<32x2048xf32, #tpu.memory_space<vmem>> -> memref<16x2048xf32, #tpu.memory_space<vmem>>
    %dma_start3A_455 = arith.constant 0 : i32
    %dma_start3A_456 = tpu.memref_slice %arg2[%add3A_446, %dma_start3A_455] : memref<8192x2048xf32, #tpu.memory_space<hbm>> -> memref<16x2048xf32, #tpu.memory_space<hbm>>
    tpu.enqueue_dma source(%dma_start3A_456 : memref<16x2048xf32, #tpu.memory_space<hbm>>) target(%dma_start3A_454 : memref<16x2048xf32, #tpu.memory_space<vmem>>) target_semaphore(%arg5 : memref<!tpu.dma_semaphore, #tpu.memory_space<semaphore_mem>>)
    %add3A_457 = arith.constant 144 : i32
    %add3A_458 = arith.addi %mul3A_2, %add3A_457 : i32
    %dma_wait3A_459 = arith.constant 16 : i32
    %dma_wait3A_460 = arith.constant 0 : i32
    %dma_wait3A_461 = tpu.memref_slice %arg4[%dma_wait3A_459, %dma_wait3A_460] : memref<32x2048xf32, #tpu.memory_space<vmem>> -> memref<16x2048xf32, #tpu.memory_space<vmem>>
    %dma_wait3A_462 = arith.constant 0 : i32
    %dma_wait3A_463 = tpu.memref_slice %arg2[%add3A_458, %dma_wait3A_462] : memref<8192x2048xf32, #tpu.memory_space<hbm>> -> memref<16x2048xf32, #tpu.memory_space<hbm>>
    %dma_wait3A_464 = arith.constant 16 : i32
    %dma_wait3A_465 = arith.constant 0 : i32
    %dma_wait3A_466 = tpu.memref_slice %arg4[%dma_wait3A_464, %dma_wait3A_465] : memref<32x2048xf32, #tpu.memory_space<vmem>> -> memref<16x2048xf32, #tpu.memory_space<vmem>>
    %dma_wait3A_467 = arith.constant 0 : i32
    %dma_wait3A_468 = tpu.memref_slice %arg2[%add3A_458, %dma_wait3A_467] : memref<8192x2048xf32, #tpu.memory_space<hbm>> -> memref<16x2048xf32, #tpu.memory_space<hbm>>
    tpu.wait_dma2 semaphore(%arg6 : memref<!tpu.dma_semaphore, #tpu.memory_space<semaphore_mem>>) src(%dma_wait3A_468 : memref<16x2048xf32, #tpu.memory_space<hbm>>) dst(%dma_wait3A_466 : memref<16x2048xf32, #tpu.memory_space<vmem>>)
    %add3A_469 = arith.constant 144 : i32
    %add3A_470 = arith.addi %mul3A_2, %add3A_469 : i32
    %dma_start3A_471 = arith.constant 16 : i32
    %dma_start3A_472 = arith.constant 0 : i32
    %dma_start3A_473 = tpu.memref_slice %arg4[%dma_start3A_471, %dma_start3A_472] : memref<32x2048xf32, #tpu.memory_space<vmem>> -> memref<16x2048xf32, #tpu.memory_space<vmem>>
    %dma_start3A_474 = arith.constant 0 : i32
    %dma_start3A_475 = tpu.memref_slice %arg3[%add3A_470, %dma_start3A_474] : memref<8192x2048xf32, #tpu.memory_space<hbm>> -> memref<16x2048xf32, #tpu.memory_space<hbm>>
    %dma_start3A_476 = arith.constant 0 : i32
    %dma_start3A_477 = tpu.memref_slice %arg3[%add3A_470, %dma_start3A_476] : memref<8192x2048xf32, #tpu.memory_space<hbm>> -> memref<16x2048xf32, #tpu.memory_space<hbm>>
    %dma_start3A_478 = arith.constant 16 : i32
    %dma_start3A_479 = arith.constant 0 : i32
    %dma_start3A_480 = tpu.memref_slice %arg4[%dma_start3A_478, %dma_start3A_479] : memref<32x2048xf32, #tpu.memory_space<vmem>> -> memref<16x2048xf32, #tpu.memory_space<vmem>>
    tpu.enqueue_dma source(%dma_start3A_480 : memref<16x2048xf32, #tpu.memory_space<vmem>>) target(%dma_start3A_477 : memref<16x2048xf32, #tpu.memory_space<hbm>>) target_semaphore(%arg8 : memref<!tpu.dma_semaphore, #tpu.memory_space<semaphore_mem>>)
    %add3A_481 = arith.constant 144 : i32
    %add3A_482 = arith.addi %mul3A_2, %add3A_481 : i32
    %dma_wait3A_483 = arith.constant 16 : i32
    %dma_wait3A_484 = arith.constant 0 : i32
    %dma_wait3A_485 = tpu.memref_slice %arg4[%dma_wait3A_483, %dma_wait3A_484] : memref<32x2048xf32, #tpu.memory_space<vmem>> -> memref<16x2048xf32, #tpu.memory_space<vmem>>
    %dma_wait3A_486 = arith.constant 0 : i32
    %dma_wait3A_487 = tpu.memref_slice %arg3[%add3A_482, %dma_wait3A_486] : memref<8192x2048xf32, #tpu.memory_space<hbm>> -> memref<16x2048xf32, #tpu.memory_space<hbm>>
    %dma_wait3A_488 = arith.constant 0 : i32
    %dma_wait3A_489 = tpu.memref_slice %arg3[%add3A_482, %dma_wait3A_488] : memref<8192x2048xf32, #tpu.memory_space<hbm>> -> memref<16x2048xf32, #tpu.memory_space<hbm>>
    %dma_wait3A_490 = arith.constant 16 : i32
    %dma_wait3A_491 = arith.constant 0 : i32
    %dma_wait3A_492 = tpu.memref_slice %arg4[%dma_wait3A_490, %dma_wait3A_491] : memref<32x2048xf32, #tpu.memory_space<vmem>> -> memref<16x2048xf32, #tpu.memory_space<vmem>>
    tpu.wait_dma2 semaphore(%arg8 : memref<!tpu.dma_semaphore, #tpu.memory_space<semaphore_mem>>) src(%dma_wait3A_492 : memref<16x2048xf32, #tpu.memory_space<vmem>>) dst(%dma_wait3A_489 : memref<16x2048xf32, #tpu.memory_space<hbm>>)
    %add3A_493 = arith.constant 176 : i32
    %add3A_494 = arith.addi %mul3A_2, %add3A_493 : i32
    %dma_start3A_495 = arith.constant 16 : i32
    %dma_start3A_496 = arith.constant 0 : i32
    %dma_start3A_497 = tpu.memref_slice %arg4[%dma_start3A_495, %dma_start3A_496] : memref<32x2048xf32, #tpu.memory_space<vmem>> -> memref<16x2048xf32, #tpu.memory_space<vmem>>
    %dma_start3A_498 = arith.constant 0 : i32
    %dma_start3A_499 = tpu.memref_slice %arg2[%add3A_494, %dma_start3A_498] : memref<8192x2048xf32, #tpu.memory_space<hbm>> -> memref<16x2048xf32, #tpu.memory_space<hbm>>
    %dma_start3A_500 = arith.constant 16 : i32
    %dma_start3A_501 = arith.constant 0 : i32
    %dma_start3A_502 = tpu.memref_slice %arg4[%dma_start3A_500, %dma_start3A_501] : memref<32x2048xf32, #tpu.memory_space<vmem>> -> memref<16x2048xf32, #tpu.memory_space<vmem>>
    %dma_start3A_503 = arith.constant 0 : i32
    %dma_start3A_504 = tpu.memref_slice %arg2[%add3A_494, %dma_start3A_503] : memref<8192x2048xf32, #tpu.memory_space<hbm>> -> memref<16x2048xf32, #tpu.memory_space<hbm>>
    tpu.enqueue_dma source(%dma_start3A_504 : memref<16x2048xf32, #tpu.memory_space<hbm>>) target(%dma_start3A_502 : memref<16x2048xf32, #tpu.memory_space<vmem>>) target_semaphore(%arg6 : memref<!tpu.dma_semaphore, #tpu.memory_space<semaphore_mem>>)
    %add3A_505 = arith.constant 160 : i32
    %add3A_506 = arith.addi %mul3A_2, %add3A_505 : i32
    %dma_wait3A_507 = arith.constant 0 : i32
    %dma_wait3A_508 = arith.constant 0 : i32
    %dma_wait3A_509 = tpu.memref_slice %arg4[%dma_wait3A_507, %dma_wait3A_508] : memref<32x2048xf32, #tpu.memory_space<vmem>> -> memref<16x2048xf32, #tpu.memory_space<vmem>>
    %dma_wait3A_510 = arith.constant 0 : i32
    %dma_wait3A_511 = tpu.memref_slice %arg2[%add3A_506, %dma_wait3A_510] : memref<8192x2048xf32, #tpu.memory_space<hbm>> -> memref<16x2048xf32, #tpu.memory_space<hbm>>
    %dma_wait3A_512 = arith.constant 0 : i32
    %dma_wait3A_513 = arith.constant 0 : i32
    %dma_wait3A_514 = tpu.memref_slice %arg4[%dma_wait3A_512, %dma_wait3A_513] : memref<32x2048xf32, #tpu.memory_space<vmem>> -> memref<16x2048xf32, #tpu.memory_space<vmem>>
    %dma_wait3A_515 = arith.constant 0 : i32
    %dma_wait3A_516 = tpu.memref_slice %arg2[%add3A_506, %dma_wait3A_515] : memref<8192x2048xf32, #tpu.memory_space<hbm>> -> memref<16x2048xf32, #tpu.memory_space<hbm>>
    tpu.wait_dma2 semaphore(%arg5 : memref<!tpu.dma_semaphore, #tpu.memory_space<semaphore_mem>>) src(%dma_wait3A_516 : memref<16x2048xf32, #tpu.memory_space<hbm>>) dst(%dma_wait3A_514 : memref<16x2048xf32, #tpu.memory_space<vmem>>)
    %add3A_517 = arith.constant 160 : i32
    %add3A_518 = arith.addi %mul3A_2, %add3A_517 : i32
    %dma_start3A_519 = arith.constant 0 : i32
    %dma_start3A_520 = arith.constant 0 : i32
    %dma_start3A_521 = tpu.memref_slice %arg4[%dma_start3A_519, %dma_start3A_520] : memref<32x2048xf32, #tpu.memory_space<vmem>> -> memref<16x2048xf32, #tpu.memory_space<vmem>>
    %dma_start3A_522 = arith.constant 0 : i32
    %dma_start3A_523 = tpu.memref_slice %arg3[%add3A_518, %dma_start3A_522] : memref<8192x2048xf32, #tpu.memory_space<hbm>> -> memref<16x2048xf32, #tpu.memory_space<hbm>>
    %dma_start3A_524 = arith.constant 0 : i32
    %dma_start3A_525 = tpu.memref_slice %arg3[%add3A_518, %dma_start3A_524] : memref<8192x2048xf32, #tpu.memory_space<hbm>> -> memref<16x2048xf32, #tpu.memory_space<hbm>>
    %dma_start3A_526 = arith.constant 0 : i32
    %dma_start3A_527 = arith.constant 0 : i32
    %dma_start3A_528 = tpu.memref_slice %arg4[%dma_start3A_526, %dma_start3A_527] : memref<32x2048xf32, #tpu.memory_space<vmem>> -> memref<16x2048xf32, #tpu.memory_space<vmem>>
    tpu.enqueue_dma source(%dma_start3A_528 : memref<16x2048xf32, #tpu.memory_space<vmem>>) target(%dma_start3A_525 : memref<16x2048xf32, #tpu.memory_space<hbm>>) target_semaphore(%arg7 : memref<!tpu.dma_semaphore, #tpu.memory_space<semaphore_mem>>)
    %add3A_529 = arith.constant 160 : i32
    %add3A_530 = arith.addi %mul3A_2, %add3A_529 : i32
    %dma_wait3A_531 = arith.constant 0 : i32
    %dma_wait3A_532 = arith.constant 0 : i32
    %dma_wait3A_533 = tpu.memref_slice %arg4[%dma_wait3A_531, %dma_wait3A_532] : memref<32x2048xf32, #tpu.memory_space<vmem>> -> memref<16x2048xf32, #tpu.memory_space<vmem>>
    %dma_wait3A_534 = arith.constant 0 : i32
    %dma_wait3A_535 = tpu.memref_slice %arg3[%add3A_530, %dma_wait3A_534] : memref<8192x2048xf32, #tpu.memory_space<hbm>> -> memref<16x2048xf32, #tpu.memory_space<hbm>>
    %dma_wait3A_536 = arith.constant 0 : i32
    %dma_wait3A_537 = tpu.memref_slice %arg3[%add3A_530, %dma_wait3A_536] : memref<8192x2048xf32, #tpu.memory_space<hbm>> -> memref<16x2048xf32, #tpu.memory_space<hbm>>
    %dma_wait3A_538 = arith.constant 0 : i32
    %dma_wait3A_539 = arith.constant 0 : i32
    %dma_wait3A_540 = tpu.memref_slice %arg4[%dma_wait3A_538, %dma_wait3A_539] : memref<32x2048xf32, #tpu.memory_space<vmem>> -> memref<16x2048xf32, #tpu.memory_space<vmem>>
    tpu.wait_dma2 semaphore(%arg7 : memref<!tpu.dma_semaphore, #tpu.memory_space<semaphore_mem>>) src(%dma_wait3A_540 : memref<16x2048xf32, #tpu.memory_space<vmem>>) dst(%dma_wait3A_537 : memref<16x2048xf32, #tpu.memory_space<hbm>>)
    %add3A_541 = arith.constant 192 : i32
    %add3A_542 = arith.addi %mul3A_2, %add3A_541 : i32
    %dma_start3A_543 = arith.constant 0 : i32
    %dma_start3A_544 = arith.constant 0 : i32
    %dma_start3A_545 = tpu.memref_slice %arg4[%dma_start3A_543, %dma_start3A_544] : memref<32x2048xf32, #tpu.memory_space<vmem>> -> memref<16x2048xf32, #tpu.memory_space<vmem>>
    %dma_start3A_546 = arith.constant 0 : i32
    %dma_start3A_547 = tpu.memref_slice %arg2[%add3A_542, %dma_start3A_546] : memref<8192x2048xf32, #tpu.memory_space<hbm>> -> memref<16x2048xf32, #tpu.memory_space<hbm>>
    %dma_start3A_548 = arith.constant 0 : i32
    %dma_start3A_549 = arith.constant 0 : i32
    %dma_start3A_550 = tpu.memref_slice %arg4[%dma_start3A_548, %dma_start3A_549] : memref<32x2048xf32, #tpu.memory_space<vmem>> -> memref<16x2048xf32, #tpu.memory_space<vmem>>
    %dma_start3A_551 = arith.constant 0 : i32
    %dma_start3A_552 = tpu.memref_slice %arg2[%add3A_542, %dma_start3A_551] : memref<8192x2048xf32, #tpu.memory_space<hbm>> -> memref<16x2048xf32, #tpu.memory_space<hbm>>
    tpu.enqueue_dma source(%dma_start3A_552 : memref<16x2048xf32, #tpu.memory_space<hbm>>) target(%dma_start3A_550 : memref<16x2048xf32, #tpu.memory_space<vmem>>) target_semaphore(%arg5 : memref<!tpu.dma_semaphore, #tpu.memory_space<semaphore_mem>>)
    %add3A_553 = arith.constant 176 : i32
    %add3A_554 = arith.addi %mul3A_2, %add3A_553 : i32
    %dma_wait3A_555 = arith.constant 16 : i32
    %dma_wait3A_556 = arith.constant 0 : i32
    %dma_wait3A_557 = tpu.memref_slice %arg4[%dma_wait3A_555, %dma_wait3A_556] : memref<32x2048xf32, #tpu.memory_space<vmem>> -> memref<16x2048xf32, #tpu.memory_space<vmem>>
    %dma_wait3A_558 = arith.constant 0 : i32
    %dma_wait3A_559 = tpu.memref_slice %arg2[%add3A_554, %dma_wait3A_558] : memref<8192x2048xf32, #tpu.memory_space<hbm>> -> memref<16x2048xf32, #tpu.memory_space<hbm>>
    %dma_wait3A_560 = arith.constant 16 : i32
    %dma_wait3A_561 = arith.constant 0 : i32
    %dma_wait3A_562 = tpu.memref_slice %arg4[%dma_wait3A_560, %dma_wait3A_561] : memref<32x2048xf32, #tpu.memory_space<vmem>> -> memref<16x2048xf32, #tpu.memory_space<vmem>>
    %dma_wait3A_563 = arith.constant 0 : i32
    %dma_wait3A_564 = tpu.memref_slice %arg2[%add3A_554, %dma_wait3A_563] : memref<8192x2048xf32, #tpu.memory_space<hbm>> -> memref<16x2048xf32, #tpu.memory_space<hbm>>
    tpu.wait_dma2 semaphore(%arg6 : memref<!tpu.dma_semaphore, #tpu.memory_space<semaphore_mem>>) src(%dma_wait3A_564 : memref<16x2048xf32, #tpu.memory_space<hbm>>) dst(%dma_wait3A_562 : memref<16x2048xf32, #tpu.memory_space<vmem>>)
    %add3A_565 = arith.constant 176 : i32
    %add3A_566 = arith.addi %mul3A_2, %add3A_565 : i32
    %dma_start3A_567 = arith.constant 16 : i32
    %dma_start3A_568 = arith.constant 0 : i32
    %dma_start3A_569 = tpu.memref_slice %arg4[%dma_start3A_567, %dma_start3A_568] : memref<32x2048xf32, #tpu.memory_space<vmem>> -> memref<16x2048xf32, #tpu.memory_space<vmem>>
    %dma_start3A_570 = arith.constant 0 : i32
    %dma_start3A_571 = tpu.memref_slice %arg3[%add3A_566, %dma_start3A_570] : memref<8192x2048xf32, #tpu.memory_space<hbm>> -> memref<16x2048xf32, #tpu.memory_space<hbm>>
    %dma_start3A_572 = arith.constant 0 : i32
    %dma_start3A_573 = tpu.memref_slice %arg3[%add3A_566, %dma_start3A_572] : memref<8192x2048xf32, #tpu.memory_space<hbm>> -> memref<16x2048xf32, #tpu.memory_space<hbm>>
    %dma_start3A_574 = arith.constant 16 : i32
    %dma_start3A_575 = arith.constant 0 : i32
    %dma_start3A_576 = tpu.memref_slice %arg4[%dma_start3A_574, %dma_start3A_575] : memref<32x2048xf32, #tpu.memory_space<vmem>> -> memref<16x2048xf32, #tpu.memory_space<vmem>>
    tpu.enqueue_dma source(%dma_start3A_576 : memref<16x2048xf32, #tpu.memory_space<vmem>>) target(%dma_start3A_573 : memref<16x2048xf32, #tpu.memory_space<hbm>>) target_semaphore(%arg8 : memref<!tpu.dma_semaphore, #tpu.memory_space<semaphore_mem>>)
    %add3A_577 = arith.constant 176 : i32
    %add3A_578 = arith.addi %mul3A_2, %add3A_577 : i32
    %dma_wait3A_579 = arith.constant 16 : i32
    %dma_wait3A_580 = arith.constant 0 : i32
    %dma_wait3A_581 = tpu.memref_slice %arg4[%dma_wait3A_579, %dma_wait3A_580] : memref<32x2048xf32, #tpu.memory_space<vmem>> -> memref<16x2048xf32, #tpu.memory_space<vmem>>
    %dma_wait3A_582 = arith.constant 0 : i32
    %dma_wait3A_583 = tpu.memref_slice %arg3[%add3A_578, %dma_wait3A_582] : memref<8192x2048xf32, #tpu.memory_space<hbm>> -> memref<16x2048xf32, #tpu.memory_space<hbm>>
    %dma_wait3A_584 = arith.constant 0 : i32
    %dma_wait3A_585 = tpu.memref_slice %arg3[%add3A_578, %dma_wait3A_584] : memref<8192x2048xf32, #tpu.memory_space<hbm>> -> memref<16x2048xf32, #tpu.memory_space<hbm>>
    %dma_wait3A_586 = arith.constant 16 : i32
    %dma_wait3A_587 = arith.constant 0 : i32
    %dma_wait3A_588 = tpu.memref_slice %arg4[%dma_wait3A_586, %dma_wait3A_587] : memref<32x2048xf32, #tpu.memory_space<vmem>> -> memref<16x2048xf32, #tpu.memory_space<vmem>>
    tpu.wait_dma2 semaphore(%arg8 : memref<!tpu.dma_semaphore, #tpu.memory_space<semaphore_mem>>) src(%dma_wait3A_588 : memref<16x2048xf32, #tpu.memory_space<vmem>>) dst(%dma_wait3A_585 : memref<16x2048xf32, #tpu.memory_space<hbm>>)
    %add3A_589 = arith.constant 208 : i32
    %add3A_590 = arith.addi %mul3A_2, %add3A_589 : i32
    %dma_start3A_591 = arith.constant 16 : i32
    %dma_start3A_592 = arith.constant 0 : i32
    %dma_start3A_593 = tpu.memref_slice %arg4[%dma_start3A_591, %dma_start3A_592] : memref<32x2048xf32, #tpu.memory_space<vmem>> -> memref<16x2048xf32, #tpu.memory_space<vmem>>
    %dma_start3A_594 = arith.constant 0 : i32
    %dma_start3A_595 = tpu.memref_slice %arg2[%add3A_590, %dma_start3A_594] : memref<8192x2048xf32, #tpu.memory_space<hbm>> -> memref<16x2048xf32, #tpu.memory_space<hbm>>
    %dma_start3A_596 = arith.constant 16 : i32
    %dma_start3A_597 = arith.constant 0 : i32
    %dma_start3A_598 = tpu.memref_slice %arg4[%dma_start3A_596, %dma_start3A_597] : memref<32x2048xf32, #tpu.memory_space<vmem>> -> memref<16x2048xf32, #tpu.memory_space<vmem>>
    %dma_start3A_599 = arith.constant 0 : i32
    %dma_start3A_600 = tpu.memref_slice %arg2[%add3A_590, %dma_start3A_599] : memref<8192x2048xf32, #tpu.memory_space<hbm>> -> memref<16x2048xf32, #tpu.memory_space<hbm>>
    tpu.enqueue_dma source(%dma_start3A_600 : memref<16x2048xf32, #tpu.memory_space<hbm>>) target(%dma_start3A_598 : memref<16x2048xf32, #tpu.memory_space<vmem>>) target_semaphore(%arg6 : memref<!tpu.dma_semaphore, #tpu.memory_space<semaphore_mem>>)
    %add3A_601 = arith.constant 192 : i32
    %add3A_602 = arith.addi %mul3A_2, %add3A_601 : i32
    %dma_wait3A_603 = arith.constant 0 : i32
    %dma_wait3A_604 = arith.constant 0 : i32
    %dma_wait3A_605 = tpu.memref_slice %arg4[%dma_wait3A_603, %dma_wait3A_604] : memref<32x2048xf32, #tpu.memory_space<vmem>> -> memref<16x2048xf32, #tpu.memory_space<vmem>>
    %dma_wait3A_606 = arith.constant 0 : i32
    %dma_wait3A_607 = tpu.memref_slice %arg2[%add3A_602, %dma_wait3A_606] : memref<8192x2048xf32, #tpu.memory_space<hbm>> -> memref<16x2048xf32, #tpu.memory_space<hbm>>
    %dma_wait3A_608 = arith.constant 0 : i32
    %dma_wait3A_609 = arith.constant 0 : i32
    %dma_wait3A_610 = tpu.memref_slice %arg4[%dma_wait3A_608, %dma_wait3A_609] : memref<32x2048xf32, #tpu.memory_space<vmem>> -> memref<16x2048xf32, #tpu.memory_space<vmem>>
    %dma_wait3A_611 = arith.constant 0 : i32
    %dma_wait3A_612 = tpu.memref_slice %arg2[%add3A_602, %dma_wait3A_611] : memref<8192x2048xf32, #tpu.memory_space<hbm>> -> memref<16x2048xf32, #tpu.memory_space<hbm>>
    tpu.wait_dma2 semaphore(%arg5 : memref<!tpu.dma_semaphore, #tpu.memory_space<semaphore_mem>>) src(%dma_wait3A_612 : memref<16x2048xf32, #tpu.memory_space<hbm>>) dst(%dma_wait3A_610 : memref<16x2048xf32, #tpu.memory_space<vmem>>)
    %add3A_613 = arith.constant 192 : i32
    %add3A_614 = arith.addi %mul3A_2, %add3A_613 : i32
    %dma_start3A_615 = arith.constant 0 : i32
    %dma_start3A_616 = arith.constant 0 : i32
    %dma_start3A_617 = tpu.memref_slice %arg4[%dma_start3A_615, %dma_start3A_616] : memref<32x2048xf32, #tpu.memory_space<vmem>> -> memref<16x2048xf32, #tpu.memory_space<vmem>>
    %dma_start3A_618 = arith.constant 0 : i32
    %dma_start3A_619 = tpu.memref_slice %arg3[%add3A_614, %dma_start3A_618] : memref<8192x2048xf32, #tpu.memory_space<hbm>> -> memref<16x2048xf32, #tpu.memory_space<hbm>>
    %dma_start3A_620 = arith.constant 0 : i32
    %dma_start3A_621 = tpu.memref_slice %arg3[%add3A_614, %dma_start3A_620] : memref<8192x2048xf32, #tpu.memory_space<hbm>> -> memref<16x2048xf32, #tpu.memory_space<hbm>>
    %dma_start3A_622 = arith.constant 0 : i32
    %dma_start3A_623 = arith.constant 0 : i32
    %dma_start3A_624 = tpu.memref_slice %arg4[%dma_start3A_622, %dma_start3A_623] : memref<32x2048xf32, #tpu.memory_space<vmem>> -> memref<16x2048xf32, #tpu.memory_space<vmem>>
    tpu.enqueue_dma source(%dma_start3A_624 : memref<16x2048xf32, #tpu.memory_space<vmem>>) target(%dma_start3A_621 : memref<16x2048xf32, #tpu.memory_space<hbm>>) target_semaphore(%arg7 : memref<!tpu.dma_semaphore, #tpu.memory_space<semaphore_mem>>)
    %add3A_625 = arith.constant 192 : i32
    %add3A_626 = arith.addi %mul3A_2, %add3A_625 : i32
    %dma_wait3A_627 = arith.constant 0 : i32
    %dma_wait3A_628 = arith.constant 0 : i32
    %dma_wait3A_629 = tpu.memref_slice %arg4[%dma_wait3A_627, %dma_wait3A_628] : memref<32x2048xf32, #tpu.memory_space<vmem>> -> memref<16x2048xf32, #tpu.memory_space<vmem>>
    %dma_wait3A_630 = arith.constant 0 : i32
    %dma_wait3A_631 = tpu.memref_slice %arg3[%add3A_626, %dma_wait3A_630] : memref<8192x2048xf32, #tpu.memory_space<hbm>> -> memref<16x2048xf32, #tpu.memory_space<hbm>>
    %dma_wait3A_632 = arith.constant 0 : i32
    %dma_wait3A_633 = tpu.memref_slice %arg3[%add3A_626, %dma_wait3A_632] : memref<8192x2048xf32, #tpu.memory_space<hbm>> -> memref<16x2048xf32, #tpu.memory_space<hbm>>
    %dma_wait3A_634 = arith.constant 0 : i32
    %dma_wait3A_635 = arith.constant 0 : i32
    %dma_wait3A_636 = tpu.memref_slice %arg4[%dma_wait3A_634, %dma_wait3A_635] : memref<32x2048xf32, #tpu.memory_space<vmem>> -> memref<16x2048xf32, #tpu.memory_space<vmem>>
    tpu.wait_dma2 semaphore(%arg7 : memref<!tpu.dma_semaphore, #tpu.memory_space<semaphore_mem>>) src(%dma_wait3A_636 : memref<16x2048xf32, #tpu.memory_space<vmem>>) dst(%dma_wait3A_633 : memref<16x2048xf32, #tpu.memory_space<hbm>>)
    %add3A_637 = arith.constant 224 : i32
    %add3A_638 = arith.addi %mul3A_2, %add3A_637 : i32
    %dma_start3A_639 = arith.constant 0 : i32
    %dma_start3A_640 = arith.constant 0 : i32
    %dma_start3A_641 = tpu.memref_slice %arg4[%dma_start3A_639, %dma_start3A_640] : memref<32x2048xf32, #tpu.memory_space<vmem>> -> memref<16x2048xf32, #tpu.memory_space<vmem>>
    %dma_start3A_642 = arith.constant 0 : i32
    %dma_start3A_643 = tpu.memref_slice %arg2[%add3A_638, %dma_start3A_642] : memref<8192x2048xf32, #tpu.memory_space<hbm>> -> memref<16x2048xf32, #tpu.memory_space<hbm>>
    %dma_start3A_644 = arith.constant 0 : i32
    %dma_start3A_645 = arith.constant 0 : i32
    %dma_start3A_646 = tpu.memref_slice %arg4[%dma_start3A_644, %dma_start3A_645] : memref<32x2048xf32, #tpu.memory_space<vmem>> -> memref<16x2048xf32, #tpu.memory_space<vmem>>
    %dma_start3A_647 = arith.constant 0 : i32
    %dma_start3A_648 = tpu.memref_slice %arg2[%add3A_638, %dma_start3A_647] : memref<8192x2048xf32, #tpu.memory_space<hbm>> -> memref<16x2048xf32, #tpu.memory_space<hbm>>
    tpu.enqueue_dma source(%dma_start3A_648 : memref<16x2048xf32, #tpu.memory_space<hbm>>) target(%dma_start3A_646 : memref<16x2048xf32, #tpu.memory_space<vmem>>) target_semaphore(%arg5 : memref<!tpu.dma_semaphore, #tpu.memory_space<semaphore_mem>>)
    %add3A_649 = arith.constant 208 : i32
    %add3A_650 = arith.addi %mul3A_2, %add3A_649 : i32
    %dma_wait3A_651 = arith.constant 16 : i32
    %dma_wait3A_652 = arith.constant 0 : i32
    %dma_wait3A_653 = tpu.memref_slice %arg4[%dma_wait3A_651, %dma_wait3A_652] : memref<32x2048xf32, #tpu.memory_space<vmem>> -> memref<16x2048xf32, #tpu.memory_space<vmem>>
    %dma_wait3A_654 = arith.constant 0 : i32
    %dma_wait3A_655 = tpu.memref_slice %arg2[%add3A_650, %dma_wait3A_654] : memref<8192x2048xf32, #tpu.memory_space<hbm>> -> memref<16x2048xf32, #tpu.memory_space<hbm>>
    %dma_wait3A_656 = arith.constant 16 : i32
    %dma_wait3A_657 = arith.constant 0 : i32
    %dma_wait3A_658 = tpu.memref_slice %arg4[%dma_wait3A_656, %dma_wait3A_657] : memref<32x2048xf32, #tpu.memory_space<vmem>> -> memref<16x2048xf32, #tpu.memory_space<vmem>>
    %dma_wait3A_659 = arith.constant 0 : i32
    %dma_wait3A_660 = tpu.memref_slice %arg2[%add3A_650, %dma_wait3A_659] : memref<8192x2048xf32, #tpu.memory_space<hbm>> -> memref<16x2048xf32, #tpu.memory_space<hbm>>
    tpu.wait_dma2 semaphore(%arg6 : memref<!tpu.dma_semaphore, #tpu.memory_space<semaphore_mem>>) src(%dma_wait3A_660 : memref<16x2048xf32, #tpu.memory_space<hbm>>) dst(%dma_wait3A_658 : memref<16x2048xf32, #tpu.memory_space<vmem>>)
    %add3A_661 = arith.constant 208 : i32
    %add3A_662 = arith.addi %mul3A_2, %add3A_661 : i32
    %dma_start3A_663 = arith.constant 16 : i32
    %dma_start3A_664 = arith.constant 0 : i32
    %dma_start3A_665 = tpu.memref_slice %arg4[%dma_start3A_663, %dma_start3A_664] : memref<32x2048xf32, #tpu.memory_space<vmem>> -> memref<16x2048xf32, #tpu.memory_space<vmem>>
    %dma_start3A_666 = arith.constant 0 : i32
    %dma_start3A_667 = tpu.memref_slice %arg3[%add3A_662, %dma_start3A_666] : memref<8192x2048xf32, #tpu.memory_space<hbm>> -> memref<16x2048xf32, #tpu.memory_space<hbm>>
    %dma_start3A_668 = arith.constant 0 : i32
    %dma_start3A_669 = tpu.memref_slice %arg3[%add3A_662, %dma_start3A_668] : memref<8192x2048xf32, #tpu.memory_space<hbm>> -> memref<16x2048xf32, #tpu.memory_space<hbm>>
    %dma_start3A_670 = arith.constant 16 : i32
    %dma_start3A_671 = arith.constant 0 : i32
    %dma_start3A_672 = tpu.memref_slice %arg4[%dma_start3A_670, %dma_start3A_671] : memref<32x2048xf32, #tpu.memory_space<vmem>> -> memref<16x2048xf32, #tpu.memory_space<vmem>>
    tpu.enqueue_dma source(%dma_start3A_672 : memref<16x2048xf32, #tpu.memory_space<vmem>>) target(%dma_start3A_669 : memref<16x2048xf32, #tpu.memory_space<hbm>>) target_semaphore(%arg8 : memref<!tpu.dma_semaphore, #tpu.memory_space<semaphore_mem>>)
    %add3A_673 = arith.constant 208 : i32
    %add3A_674 = arith.addi %mul3A_2, %add3A_673 : i32
    %dma_wait3A_675 = arith.constant 16 : i32
    %dma_wait3A_676 = arith.constant 0 : i32
    %dma_wait3A_677 = tpu.memref_slice %arg4[%dma_wait3A_675, %dma_wait3A_676] : memref<32x2048xf32, #tpu.memory_space<vmem>> -> memref<16x2048xf32, #tpu.memory_space<vmem>>
    %dma_wait3A_678 = arith.constant 0 : i32
    %dma_wait3A_679 = tpu.memref_slice %arg3[%add3A_674, %dma_wait3A_678] : memref<8192x2048xf32, #tpu.memory_space<hbm>> -> memref<16x2048xf32, #tpu.memory_space<hbm>>
    %dma_wait3A_680 = arith.constant 0 : i32
    %dma_wait3A_681 = tpu.memref_slice %arg3[%add3A_674, %dma_wait3A_680] : memref<8192x2048xf32, #tpu.memory_space<hbm>> -> memref<16x2048xf32, #tpu.memory_space<hbm>>
    %dma_wait3A_682 = arith.constant 16 : i32
    %dma_wait3A_683 = arith.constant 0 : i32
    %dma_wait3A_684 = tpu.memref_slice %arg4[%dma_wait3A_682, %dma_wait3A_683] : memref<32x2048xf32, #tpu.memory_space<vmem>> -> memref<16x2048xf32, #tpu.memory_space<vmem>>
    tpu.wait_dma2 semaphore(%arg8 : memref<!tpu.dma_semaphore, #tpu.memory_space<semaphore_mem>>) src(%dma_wait3A_684 : memref<16x2048xf32, #tpu.memory_space<vmem>>) dst(%dma_wait3A_681 : memref<16x2048xf32, #tpu.memory_space<hbm>>)
    %add3A_685 = arith.constant 240 : i32
    %add3A_686 = arith.addi %mul3A_2, %add3A_685 : i32
    %dma_start3A_687 = arith.constant 16 : i32
    %dma_start3A_688 = arith.constant 0 : i32
    %dma_start3A_689 = tpu.memref_slice %arg4[%dma_start3A_687, %dma_start3A_688] : memref<32x2048xf32, #tpu.memory_space<vmem>> -> memref<16x2048xf32, #tpu.memory_space<vmem>>
    %dma_start3A_690 = arith.constant 0 : i32
    %dma_start3A_691 = tpu.memref_slice %arg2[%add3A_686, %dma_start3A_690] : memref<8192x2048xf32, #tpu.memory_space<hbm>> -> memref<16x2048xf32, #tpu.memory_space<hbm>>
    %dma_start3A_692 = arith.constant 16 : i32
    %dma_start3A_693 = arith.constant 0 : i32
    %dma_start3A_694 = tpu.memref_slice %arg4[%dma_start3A_692, %dma_start3A_693] : memref<32x2048xf32, #tpu.memory_space<vmem>> -> memref<16x2048xf32, #tpu.memory_space<vmem>>
    %dma_start3A_695 = arith.constant 0 : i32
    %dma_start3A_696 = tpu.memref_slice %arg2[%add3A_686, %dma_start3A_695] : memref<8192x2048xf32, #tpu.memory_space<hbm>> -> memref<16x2048xf32, #tpu.memory_space<hbm>>
    tpu.enqueue_dma source(%dma_start3A_696 : memref<16x2048xf32, #tpu.memory_space<hbm>>) target(%dma_start3A_694 : memref<16x2048xf32, #tpu.memory_space<vmem>>) target_semaphore(%arg6 : memref<!tpu.dma_semaphore, #tpu.memory_space<semaphore_mem>>)
    %add3A_697 = arith.constant 224 : i32
    %add3A_698 = arith.addi %mul3A_2, %add3A_697 : i32
    %dma_wait3A_699 = arith.constant 0 : i32
    %dma_wait3A_700 = arith.constant 0 : i32
    %dma_wait3A_701 = tpu.memref_slice %arg4[%dma_wait3A_699, %dma_wait3A_700] : memref<32x2048xf32, #tpu.memory_space<vmem>> -> memref<16x2048xf32, #tpu.memory_space<vmem>>
    %dma_wait3A_702 = arith.constant 0 : i32
    %dma_wait3A_703 = tpu.memref_slice %arg2[%add3A_698, %dma_wait3A_702] : memref<8192x2048xf32, #tpu.memory_space<hbm>> -> memref<16x2048xf32, #tpu.memory_space<hbm>>
    %dma_wait3A_704 = arith.constant 0 : i32
    %dma_wait3A_705 = arith.constant 0 : i32
    %dma_wait3A_706 = tpu.memref_slice %arg4[%dma_wait3A_704, %dma_wait3A_705] : memref<32x2048xf32, #tpu.memory_space<vmem>> -> memref<16x2048xf32, #tpu.memory_space<vmem>>
    %dma_wait3A_707 = arith.constant 0 : i32
    %dma_wait3A_708 = tpu.memref_slice %arg2[%add3A_698, %dma_wait3A_707] : memref<8192x2048xf32, #tpu.memory_space<hbm>> -> memref<16x2048xf32, #tpu.memory_space<hbm>>
    tpu.wait_dma2 semaphore(%arg5 : memref<!tpu.dma_semaphore, #tpu.memory_space<semaphore_mem>>) src(%dma_wait3A_708 : memref<16x2048xf32, #tpu.memory_space<hbm>>) dst(%dma_wait3A_706 : memref<16x2048xf32, #tpu.memory_space<vmem>>)
    %add3A_709 = arith.constant 224 : i32
    %add3A_710 = arith.addi %mul3A_2, %add3A_709 : i32
    %dma_start3A_711 = arith.constant 0 : i32
    %dma_start3A_712 = arith.constant 0 : i32
    %dma_start3A_713 = tpu.memref_slice %arg4[%dma_start3A_711, %dma_start3A_712] : memref<32x2048xf32, #tpu.memory_space<vmem>> -> memref<16x2048xf32, #tpu.memory_space<vmem>>
    %dma_start3A_714 = arith.constant 0 : i32
    %dma_start3A_715 = tpu.memref_slice %arg3[%add3A_710, %dma_start3A_714] : memref<8192x2048xf32, #tpu.memory_space<hbm>> -> memref<16x2048xf32, #tpu.memory_space<hbm>>
    %dma_start3A_716 = arith.constant 0 : i32
    %dma_start3A_717 = tpu.memref_slice %arg3[%add3A_710, %dma_start3A_716] : memref<8192x2048xf32, #tpu.memory_space<hbm>> -> memref<16x2048xf32, #tpu.memory_space<hbm>>
    %dma_start3A_718 = arith.constant 0 : i32
    %dma_start3A_719 = arith.constant 0 : i32
    %dma_start3A_720 = tpu.memref_slice %arg4[%dma_start3A_718, %dma_start3A_719] : memref<32x2048xf32, #tpu.memory_space<vmem>> -> memref<16x2048xf32, #tpu.memory_space<vmem>>
    tpu.enqueue_dma source(%dma_start3A_720 : memref<16x2048xf32, #tpu.memory_space<vmem>>) target(%dma_start3A_717 : memref<16x2048xf32, #tpu.memory_space<hbm>>) target_semaphore(%arg7 : memref<!tpu.dma_semaphore, #tpu.memory_space<semaphore_mem>>)
    %add3A_721 = arith.constant 240 : i32
    %add3A_722 = arith.addi %mul3A_2, %add3A_721 : i32
    %dma_wait3A_723 = arith.constant 16 : i32
    %dma_wait3A_724 = arith.constant 0 : i32
    %dma_wait3A_725 = tpu.memref_slice %arg4[%dma_wait3A_723, %dma_wait3A_724] : memref<32x2048xf32, #tpu.memory_space<vmem>> -> memref<16x2048xf32, #tpu.memory_space<vmem>>
    %dma_wait3A_726 = arith.constant 0 : i32
    %dma_wait3A_727 = tpu.memref_slice %arg2[%add3A_722, %dma_wait3A_726] : memref<8192x2048xf32, #tpu.memory_space<hbm>> -> memref<16x2048xf32, #tpu.memory_space<hbm>>
    %dma_wait3A_728 = arith.constant 16 : i32
    %dma_wait3A_729 = arith.constant 0 : i32
    %dma_wait3A_730 = tpu.memref_slice %arg4[%dma_wait3A_728, %dma_wait3A_729] : memref<32x2048xf32, #tpu.memory_space<vmem>> -> memref<16x2048xf32, #tpu.memory_space<vmem>>
    %dma_wait3A_731 = arith.constant 0 : i32
    %dma_wait3A_732 = tpu.memref_slice %arg2[%add3A_722, %dma_wait3A_731] : memref<8192x2048xf32, #tpu.memory_space<hbm>> -> memref<16x2048xf32, #tpu.memory_space<hbm>>
    tpu.wait_dma2 semaphore(%arg6 : memref<!tpu.dma_semaphore, #tpu.memory_space<semaphore_mem>>) src(%dma_wait3A_732 : memref<16x2048xf32, #tpu.memory_space<hbm>>) dst(%dma_wait3A_730 : memref<16x2048xf32, #tpu.memory_space<vmem>>)
    %add3A_733 = arith.constant 240 : i32
    %add3A_734 = arith.addi %mul3A_2, %add3A_733 : i32
    %dma_start3A_735 = arith.constant 16 : i32
    %dma_start3A_736 = arith.constant 0 : i32
    %dma_start3A_737 = tpu.memref_slice %arg4[%dma_start3A_735, %dma_start3A_736] : memref<32x2048xf32, #tpu.memory_space<vmem>> -> memref<16x2048xf32, #tpu.memory_space<vmem>>
    %dma_start3A_738 = arith.constant 0 : i32
    %dma_start3A_739 = tpu.memref_slice %arg3[%add3A_734, %dma_start3A_738] : memref<8192x2048xf32, #tpu.memory_space<hbm>> -> memref<16x2048xf32, #tpu.memory_space<hbm>>
    %dma_start3A_740 = arith.constant 0 : i32
    %dma_start3A_741 = tpu.memref_slice %arg3[%add3A_734, %dma_start3A_740] : memref<8192x2048xf32, #tpu.memory_space<hbm>> -> memref<16x2048xf32, #tpu.memory_space<hbm>>
    %dma_start3A_742 = arith.constant 16 : i32
    %dma_start3A_743 = arith.constant 0 : i32
    %dma_start3A_744 = tpu.memref_slice %arg4[%dma_start3A_742, %dma_start3A_743] : memref<32x2048xf32, #tpu.memory_space<vmem>> -> memref<16x2048xf32, #tpu.memory_space<vmem>>
    tpu.enqueue_dma source(%dma_start3A_744 : memref<16x2048xf32, #tpu.memory_space<vmem>>) target(%dma_start3A_741 : memref<16x2048xf32, #tpu.memory_space<hbm>>) target_semaphore(%arg8 : memref<!tpu.dma_semaphore, #tpu.memory_space<semaphore_mem>>)
    %add3A_745 = arith.constant 224 : i32
    %add3A_746 = arith.addi %mul3A_2, %add3A_745 : i32
    %dma_wait3A_747 = arith.constant 0 : i32
    %dma_wait3A_748 = arith.constant 0 : i32
    %dma_wait3A_749 = tpu.memref_slice %arg4[%dma_wait3A_747, %dma_wait3A_748] : memref<32x2048xf32, #tpu.memory_space<vmem>> -> memref<16x2048xf32, #tpu.memory_space<vmem>>
    %dma_wait3A_750 = arith.constant 0 : i32
    %dma_wait3A_751 = tpu.memref_slice %arg3[%add3A_746, %dma_wait3A_750] : memref<8192x2048xf32, #tpu.memory_space<hbm>> -> memref<16x2048xf32, #tpu.memory_space<hbm>>
    %dma_wait3A_752 = arith.constant 0 : i32
    %dma_wait3A_753 = tpu.memref_slice %arg3[%add3A_746, %dma_wait3A_752] : memref<8192x2048xf32, #tpu.memory_space<hbm>> -> memref<16x2048xf32, #tpu.memory_space<hbm>>
    %dma_wait3A_754 = arith.constant 0 : i32
    %dma_wait3A_755 = arith.constant 0 : i32
    %dma_wait3A_756 = tpu.memref_slice %arg4[%dma_wait3A_754, %dma_wait3A_755] : memref<32x2048xf32, #tpu.memory_space<vmem>> -> memref<16x2048xf32, #tpu.memory_space<vmem>>
    tpu.wait_dma2 semaphore(%arg7 : memref<!tpu.dma_semaphore, #tpu.memory_space<semaphore_mem>>) src(%dma_wait3A_756 : memref<16x2048xf32, #tpu.memory_space<vmem>>) dst(%dma_wait3A_753 : memref<16x2048xf32, #tpu.memory_space<hbm>>)
    %add3A_757 = arith.constant 240 : i32
    %add3A_758 = arith.addi %mul3A_2, %add3A_757 : i32
    %dma_wait3A_759 = arith.constant 16 : i32
    %dma_wait3A_760 = arith.constant 0 : i32
    %dma_wait3A_761 = tpu.memref_slice %arg4[%dma_wait3A_759, %dma_wait3A_760] : memref<32x2048xf32, #tpu.memory_space<vmem>> -> memref<16x2048xf32, #tpu.memory_space<vmem>>
    %dma_wait3A_762 = arith.constant 0 : i32
    %dma_wait3A_763 = tpu.memref_slice %arg3[%add3A_758, %dma_wait3A_762] : memref<8192x2048xf32, #tpu.memory_space<hbm>> -> memref<16x2048xf32, #tpu.memory_space<hbm>>
    %dma_wait3A_764 = arith.constant 0 : i32
    %dma_wait3A_765 = tpu.memref_slice %arg3[%add3A_758, %dma_wait3A_764] : memref<8192x2048xf32, #tpu.memory_space<hbm>> -> memref<16x2048xf32, #tpu.memory_space<hbm>>
    %dma_wait3A_766 = arith.constant 16 : i32
    %dma_wait3A_767 = arith.constant 0 : i32
    %dma_wait3A_768 = tpu.memref_slice %arg4[%dma_wait3A_766, %dma_wait3A_767] : memref<32x2048xf32, #tpu.memory_space<vmem>> -> memref<16x2048xf32, #tpu.memory_space<vmem>>
    tpu.wait_dma2 semaphore(%arg8 : memref<!tpu.dma_semaphore, #tpu.memory_space<semaphore_mem>>) src(%dma_wait3A_768 : memref<16x2048xf32, #tpu.memory_space<vmem>>) dst(%dma_wait3A_765 : memref<16x2048xf32, #tpu.memory_space<hbm>>)
    return
  }
}

</mosaic_0001>

<sc_bundles>
// kernel: kernel.3.cloned.1.call-start
scs
__scs_entry_jumppad:
0x0: {  	(pc) =	sbr.rel $0x88, $3  }
0x1: {  	(tag) =	ssettag $0x0;
	lr =	simm.s32 $0x1  }
0x2: {  	[smem:$0x3FA0] =	sst lr;
	_ =	strace $0xD0000000  }
0x3: {  	_ = 	snop  }
0x4: {  	_ = 	snop  }
0x5: {  	_ = 	snop  }
0x6: {  	_ = 	snop  }
0x7: {  	_ = 	snop  }
__scs_overlays_trampoline_lowered:
0x8: {  	[smem:$0x3FAF] =	sst s0  }
0x9: {  	[smem:$0x3FB0] =	sst s1  }
0xa: {  	[smem:$0x3FB1] =	sst s2  }
0xb: {  	[smem:$0x3FB2] =	sst s3  }
0xc: {  	[smem:$0x3FB3] =	sst s4  }
0xd: {  	[smem:$0x3FB4] =	sst s5  }
0xe: {  	[smem:$0x3FB5] =	sst s6  }
0xf: {  	[smem:$0x3FB6] =	sst s7  }
0x10: {  	[smem:$0x3FB7] =	sst s8  }
0x11: {  	[smem:$0x3FB8] =	sst s9;
	s0 =	simm.s32 @!p0 $0x0  }
0x12: {  	s1 =	sld [smem:$0x3F9E];
	s0 =	simm.s32 @p0 $0x1  }
0x13: {  	[smem:$0x3FB9] =	sst s0;
	s0 =	simm.s32 @!p1 $0x0  }
0x14: {  	s2 =	sld [smem:$0x3F9D];
	s0 =	simm.s32 @p1 $0x1  }
0x15: {  	[smem:$0x3FBA] =	sst s0;
	s0 =	simm.s32 @!p2 $0x0  }
0x16: {  	s3 =	sld [smem:$0x3FDB];
	s0 =	simm.s32 @p2 $0x1  }
0x17: {  	s4 =	simm.s32 $0x1BF5;
	[smem:$0x3FBC] =	sst s0  }
0x18: {  	s0 =	sld [smem:$0x3F9F];
	_ =	swait.ge [sflag:s4], $0x0  }
0x19: {  	s7 =	sld [smem:$0x3FA0]  }
0x1a: {  	s8 =	sadd.s32 $0xFFFFE003, lr  }
0x1b: {  	s9 =	sadd.s32 $0xFFFFFEF7, lr;
	s5 =	simm.s32 $0xFFFFFFFF;
	p2 =	slt.u32 s8, $0xFFFFF086  }
0x1c: {  	p1 =	slt.u32 s9, $0xF7A;
	s5 =	simm.s32 @!p2 $0x0  }
0x1d: {  	s5 =	simm.s32 @p1 $0x1;
	p0 =	seq.s32 s7, s2  }
0x1e: {  	s7 =	smul.u32 @!p0 $0xF7A, s2;
	p2 =	seq.s32 @!p0 s5, $0x0  }
0x1f: {  	s9 =	smul.u32 $0xF7A, s1;
	s8 =	simm.s32 @!p0 $0x1BF5;
	p2 =	por !p2, p0  }
0x20: {  	[sflag:s8] =	ssyncset.s32 @!p0 $0xFFFFF086;
	s6 =	sadd.s32 @!p0 s3, s7;
	s7 =	simm.s32 @!p0 $0x108  }
0x21: {  	s3 =	sadd.s32 s3, s9;
	s6 =	sadd.s32 @!p0 $0x88, s6;
	s7 =	simm.s32 @p2 $0x1082  }
0x22: {  	[simem:s7], [sflag:s8] =	dma.local @!p0 [hbm:s6], $0xF7A  }
0x23: {  	s9 =	sor.u32 $0xD0000000, s2;
	s6 =	simm.s32 $0x108;
	_ =	swait.ge @!p0 [sflag:s8], $0x0  }
0x24: {  	s3 =	sadd.s32 $0x88, s3;
	s6 =	simm.s32 @!p1 $0x1082;
	[sflag:s4] =	ssyncset.s32 $0xFFFFF086  }
0x25: {  	[simem:s6], [sflag:s4] =	dma.local [hbm:s3], $0xF7A  }
0x26: {  	[smem:$0x3FA0] =	sst s1;
	(tag) =	ssettag s2;
	_ =	strace s9  }
0x27: {  	s1 =	sld [smem:$0x3FB0]  }
0x28: {  	s2 =	sld [smem:$0x3FB1]  }
0x29: {  	s4 =	sld [smem:$0x3FB3]  }
0x2a: {  	p0 =	seq.s32 s5, $0x0;
	s5 =	sld [smem:$0x3FB4]  }
0x2b: {  	s6 =	sld [smem:$0x3FB5]  }
0x2c: {  	s7 =	sld [smem:$0x3FB6]  }
0x2d: {  	s3 =	simm.s32 $0x108;
	s8 =	sld [smem:$0x3FB7]  }
0x2e: {  	s3 =	simm.s32 @!p0 $0x1082;
	s9 =	sld [smem:$0x3FB8]  }
0x2f: {  	lr =	sadd.s32 s0, s3;
	s0 =	sld [smem:$0x3FAF]  }
0x30: {  	s3 =	sld [smem:$0x3FB2]  }
0x31: {  	[smem:$0x3FBB] =	sst s10  }
0x32: {  	s10 =	sld [smem:$0x3FB9];
	_ =	sdelay $0x3  }
0x33: {  	p0 =	seq.s32 s10, $0x1;
	s10 =	sld [smem:$0x3FBB];
	_ =	sdelay $0x3  }
0x34: {  	[smem:$0x3FBB] =	sst s10  }
0x35: {  	s10 =	sld [smem:$0x3FBA];
	_ =	sdelay $0x3  }
0x36: {  	p1 =	seq.s32 s10, $0x1;
	s10 =	sld [smem:$0x3FBB];
	_ =	sdelay $0x3  }
0x37: {  	[smem:$0x3FBB] =	sst s10  }
0x38: {  	s10 =	sld [smem:$0x3FBC]  }
0x39: {  	_ = 	snop;
	(pc) =	sbr.ind lr, $3  }
0x3a: {  	_ = 	snop  }
0x3b: {  	_ = 	snop  }
0x3c: {  	p2 =	seq.s32 s10, $0x1;
	s10 =	sld [smem:$0x3FBB]  }
0x3d: {  	_ =	shalt  }
0x3e: {  	_ =	shalt  }
0x3f: {  	_ =	shalt  }
0x40: {  	_ =	shalt  }
0x41: {  	_ =	shalt  }
0x42: {  	_ =	shalt  }
0x43: {  	_ =	shalt  }
0x44: {  	_ =	shalt  }
0x45: {  	_ =	shalt  }
0x46: {  	_ =	shalt  }
0x47: {  	_ =	shalt  }
0x48: {  	_ =	shalt  }
0x49: {  	_ =	shalt  }
0x4a: {  	_ =	shalt  }
0x4b: {  	_ =	shalt  }
0x4c: {  	_ =	shalt  }
0x4d: {  	_ =	shalt  }
0x4e: {  	_ =	shalt  }
0x4f: {  	_ =	shalt  }
0x50: {  	_ =	shalt  }
0x51: {  	_ =	shalt  }
0x52: {  	_ =	shalt  }
0x53: {  	_ =	shalt  }
0x54: {  	_ =	shalt  }
0x55: {  	_ =	shalt  }
0x56: {  	_ =	shalt  }
0x57: {  	_ =	shalt  }
0x58: {  	_ =	shalt  }
0x59: {  	_ =	shalt  }
0x5a: {  	_ =	shalt  }
0x5b: {  	_ =	shalt  }
0x5c: {  	_ =	shalt  }
0x5d: {  	_ =	shalt  }
0x5e: {  	_ =	shalt  }
0x5f: {  	_ =	shalt  }
0x60: {  	_ =	shalt  }
0x61: {  	_ =	shalt  }
0x62: {  	_ =	shalt  }
0x63: {  	_ =	shalt  }
0x64: {  	_ =	shalt  }
0x65: {  	_ =	shalt  }
0x66: {  	_ =	shalt  }
0x67: {  	_ =	shalt  }
0x68: {  	_ =	shalt  }
0x69: {  	_ =	shalt  }
0x6a: {  	_ =	shalt  }
0x6b: {  	_ =	shalt  }
0x6c: {  	_ =	shalt  }
0x6d: {  	_ =	shalt  }
0x6e: {  	_ =	shalt  }
0x6f: {  	_ =	shalt  }
0x70: {  	_ =	shalt  }
0x71: {  	_ =	shalt  }
0x72: {  	_ =	shalt  }
0x73: {  	_ =	shalt  }
0x74: {  	_ =	shalt  }
0x75: {  	_ =	shalt  }
0x76: {  	_ =	shalt  }
0x77: {  	_ =	shalt  }
0x78: {  	_ =	shalt  }
0x79: {  	_ =	shalt  }
0x7a: {  	_ =	shalt  }
0x7b: {  	_ =	shalt  }
0x7c: {  	_ =	shalt  }
0x7d: {  	_ =	shalt  }
0x7e: {  	_ =	shalt  }
0x7f: {  	_ =	shalt  }
0x80: {  	_ =	shalt  }
0x81: {  	_ =	shalt  }
0x82: {  	_ =	shalt  }
0x83: {  	_ =	shalt  }
0x84: {  	_ =	shalt  }
0x85: {  	_ =	shalt  }
0x86: {  	_ =	shalt  }
0x87: {  	_ =	shalt  }
.Lfunc_end0:
.L_simem_size_0:
called_computation_lowered:
.L_overlay_start_0:
0x88: {  	s2 =	sld [smem:$0x3FD9]  }
0x89: {  	s3 =	sld [smem:$0x3FFE];
	_ =	sdelay $0x1  }
0x8a: {  	s1 =	srdreg.scid  }
0x8b: {  	s0 =	sand.u32 $0x1, s1  }
0x8c: {  	s18 =	sshll.u32 s0, $0xA;
	s2 =	sadd.s32 s3, s2  }
0x8d: {  	s2 =	sadd.s32 s2, s18  }
0x8e: {  	[smem:$0x3FC7] =	sst s2  }
0x8f: {  	_ = 	snop  }
0x90: {  	s2 =	sld [smem:$0x3FC9]  }
0x91: {  	s19 =	sld [smem:$0x3FD0];
	(tm) =	ssettm $0x1  }
0x92: {  	s4 =	sld [smem:$0x3FFB];
	_ =	sdelay $0x3  }
0x93: {  	_ =	strace s4  }
0x94: {  	s4 =	sld [smem:$0x3FFC];
	_ =	sdelay $0x3  }
0x95: {  	_ =	strace s4  }
0x96: {  	s4 =	sld [smem:$0x3FFD];
	_ =	sdelay $0x3  }
0x97: {  	_ =	strace s4  }
0x98: {  	_ =	strace $0x8FFFFFFF  }
0x99: {  	s20 =	sld [smem:$0x3FDB];
	_ =	sdelay $0x1  }
0x9a: {  	s5 =	simm.s32 $_scs_section_size  }
0x9b: {  	s6 =	simm.s32 $_size__tile_overlayer_lowered;
	s7 =	simm.s32 $_tile_overlayer_lowered  }
0x9c: {  	s23 =	simm.s32 $0x1BFF;
	s22 =	sshll.u32 s7, $0x1;
	s4 =	sadd.s32 s5, s20  }
0x9d: {  	s8 =	simm.s32 $0x0;
	s21 =	sshll.u32 s6, $0x1;
	s6 =	sadd.s32 s22, s4  }
0x9e: {  	[timem:s8], [sflag:s23] =	dma.local [hbm:s6], s21  }
0x9f: {  	_ =	swait.ge [sflag:s23], s21  }
0xa0: {  	s5 =	ssub.s32 $0x0, s21;
	[sflag:s23] =	ssyncset.done $0x0  }
0xa1: {  	[sflag:s23] =	ssyncadd.s32 s5;
	_ =	sdelay $0x1  }
0xa2: {  	s24 =	simm.s32 $0x1B8B  }
0xa3: {  	_ =	swait.ge [sflag:s24], $0x1  }
0xa4: {  	[sflag:s24] =	ssyncset.done $0x0  }
0xa5: {  	s25 =	simm.s32 $0x1B8E;
	[sflag:s24] =	ssyncadd.s32 $0xFFFFFFFF  }
0xa6: {  	s26 =	simm.s32 $execute0_lowered;
	[smem:$0x3FD2] =	sst s25  }
0xa7: {  	s5 =	sshll.u32 s26, $0x1;
	_ =	strace $0x80000046;
	[dreg:$0x1] =	wrdreg $0xFFFFFFFF  }
0xa8: {  	s28 =	simm.s32 $_size_execute0_lowered;
	s4 =	sadd.s32 s4, s5;
	[dreg:$0x0] =	wrdreg $0x0  }
0xa9: {  	s5 =	sshll.u32 s28, $0x1;
	[dreg:$0x2] =	wrdreg s4  }
0xaa: {  	[dreg:$0x3] =	wrdreg s5  }
0xab: {  	[dreg:$0x4] =	wrdreg $0xC0  }
0xac: {  	_ =	task [dreg:s8], $0x5FFFF  }
0xad: {  	[dreg:$0x1] =	wrdreg $0xFFFFFFFF  }
0xae: {  	[dreg:$0x0] =	wrdreg $0x60  }
0xaf: {  	[dreg:$0x2] =	wrdreg s2  }
0xb0: {  	[dreg:$0x3] =	wrdreg s19  }
0xb1: {  	[dreg:$0x4] =	wrdreg $0x9  }
0xb2: {  	_ =	task.clear_ibuf [dreg:s8], $0x5FFFF;
	_ =	strace $0x90000046  }
0xb3: {  	s29 =	simm.s32 $0x9;
	_ =	strace $0x80000048  }
0xb4: {  	_ =	swait.ge [sflag:s29], $0x1  }
0xb5: {  	[sflag:s29] =	ssyncadd.s32 $0xFFFFFFFF  }
0xb6: {  	_ =	strace $0x90000048  }
0xb7: {  	_ =	sfence  }
0xb8: {  	s30 =	sld [smem:$0x0];
	_ =	sdelay $0x2  }
0xb9: {  	s31 =	sshll.u32 s1, $0xD;
	s1 =	sshrl.u32 s1, $0x2  }
0xba: {  	s3 =	sand.u32 $0x4000, s31;
	s1 =	sadd.s32 s1, s30  }
0xbb: {  	s0 =	sor.u32 s3, s0;
	s1 =	sshll.u32 s1, $0x11  }
0xbc: {  	s0 =	sor.u32 s1, s0  }
0xbd: {  	s0 =	sadd.s32 $0x8F2B, s0  }
0xbe: {  	[sflag:s0] =	ssyncadd.remote.s32 $0x1  }
0xbf: {  	_ =	sfence.sel $0xFFFF  }
0xc0: {  	[dreg:$0x0] =	wrdreg $0xFFFFFFFF;
	(pc) =	sbr.abs _section_cstart, $3  }
0xc1: {  	[dreg:$0x1] =	wrdreg $0xFFFFFFFF  }
0xc2: {  	_ =	task.clear_ibuf [dreg:s8], $0x2FFFF;
	_ =	strace $0x9FFFFFFF  }
0xc3: {  	(tm) =	ssettm $0x7FFFFFFF  }
tec
execute0_lowered:
.L_overlay_start_1:
0x0: {  	(tag) =	ssettag $0x1  }
0x1: {  	s29 =	rddreg [dreg:$0x0];
	s0 =	srdreg.scid  }
0x2: {  	s3 =	stileid.u32;
	s2 =	simm.s32 $0x0;
	s0 =	sand.u32 $0x1, s0  }
0x3: {  	s3 =	sshll.u32 s3, $0x11;
	[smem:$0x7FF] =	sst s2;
	s4 =	sshll.u32 s0, $0x10  }
0x4: {  	[dreg:$0xd] =	wrdreg s0;
	s30 =	sor.u32 s4, s3  }
0x5: {  	s1 =	rddreg [dreg:$0x1];
	_ =	strace $0x80000047;
	s3 =	sadd.s32 s29, s30  }
0x6: {  	s4 =	sor.u32 $0x1000, s30;
	s11 =	sadd.s32 s1, s30;
	[dreg:$0x3] =	wrdreg s3  }
0x7: {  	s5 =	sor.u32 $0x2000, s30;
	s10 =	sadd.s32 s29, s4;
	[dreg:$0x5] =	wrdreg s11  }
0x8: {  	s12 =	sadd.s32 s29, s5;
	[dreg:$0x4] =	wrdreg s10  }
0x9: {  	s14 =	sor.u32 $0x3000, s30;
	s13 =	sadd.s32 s1, s4;
	[dreg:$0x6] =	wrdreg s12  }
0xa: {  	s15 =	sadd.s32 s29, s14;
	[dreg:$0x7] =	wrdreg s13  }
0xb: {  	s16 =	sadd.s32 s1, s5;
	[dreg:$0x8] =	wrdreg s15  }
0xc: {  	s17 =	sor.u32 $0x4000, s30;
	[dreg:$0x9] =	wrdreg s16  }
0xd: {  	s18 =	sadd.s32 s29, s17;
	s19 =	rddreg [dreg:$0x3]  }
0xe: {  	s20 =	sadd.s32 s1, s14;
	[dreg:$0xa] =	wrdreg s18  }
0xf: {  	[dreg:$0xb] =	wrdreg s20  }
0x10: {  	[tilespmem:s2], [sflag:$0x1] =	stream.linear.gather [hbm4b:s19+s2], $0x8000, $0x38;
	[tilespmem:$0x10000] =	vst v63  }
0x11: {  	s3 =	simm.s32 $0x8000;
	s4 =	simm.s32 $0x1;
	s6 =	rddreg [dreg:$0x4]  }
0x12: {  	[tilespmem:s3], [sflag:$0x2] =	stream.linear.gather [hbm4b:s6+s2], $0x8000, $0x38;
	[tilespmem:$0x10000] =	vst v63  }
0x13: {  	_ =	swait.ge [sflag:s4], $0x8000  }
0x14: {  	[sflag:s4] =	ssyncset.done $0x0  }
0x15: {  	s5 =	simm.s32 $0x3;
	s21 =	rddreg [dreg:$0x5];
	[sflag:s4] =	ssyncadd.s32 $0xFFFF8000  }
0x16: {  	[hbm4b:s21+s2] =	stream.linear.scatter [tilespmem:s2], [sflag:$0x3], $0x8000, $0x38;
	[tilespmem:$0x10000] =	vst v63  }
0x17: {  	_ =	swait.ge [sflag:s5], $0x8000  }
0x18: {  	[sflag:s5] =	ssyncset.done $0x0  }
0x19: {  	s6 =	simm.s32 $0x2;
	s7 =	rddreg [dreg:$0x6];
	[sflag:s5] =	ssyncadd.s32 $0xFFFF8000  }
0x1a: {  	[tilespmem:s2], [sflag:$0x1] =	stream.linear.gather [hbm4b:s7+s2], $0x8000, $0x38;
	[tilespmem:$0x10000] =	vst v63  }
0x1b: {  	_ =	swait.ge [sflag:s6], $0x8000  }
0x1c: {  	[sflag:s6] =	ssyncset.done $0x0  }
0x1d: {  	s7 =	simm.s32 $0x4;
	s8 =	rddreg [dreg:$0x7];
	[sflag:s6] =	ssyncadd.s32 $0xFFFF8000  }
0x1e: {  	[hbm4b:s8+s2] =	stream.linear.scatter [tilespmem:s3], [sflag:$0x4], $0x8000, $0x38;
	[tilespmem:$0x10000] =	vst v63  }
0x1f: {  	_ =	swait.ge [sflag:s7], $0x8000  }
0x20: {  	[sflag:s7] =	ssyncset.done $0x0  }
0x21: {  	s22 =	rddreg [dreg:$0x8];
	[sflag:s7] =	ssyncadd.s32 $0xFFFF8000  }
0x22: {  	[tilespmem:s3], [sflag:$0x2] =	stream.linear.gather [hbm4b:s22+s2], $0x8000, $0x38;
	[tilespmem:$0x10000] =	vst v63  }
0x23: {  	_ =	swait.ge [sflag:s4], $0x8000  }
0x24: {  	[sflag:s4] =	ssyncset.done $0x0  }
0x25: {  	s23 =	rddreg [dreg:$0x9];
	[sflag:s4] =	ssyncadd.s32 $0xFFFF8000  }
0x26: {  	[hbm4b:s23+s2] =	stream.linear.scatter [tilespmem:s2], [sflag:$0x3], $0x8000, $0x38;
	[tilespmem:$0x10000] =	vst v63  }
0x27: {  	_ =	swait.ge [sflag:s5], $0x8000  }
0x28: {  	[sflag:s5] =	ssyncset.done $0x0  }
0x29: {  	s24 =	rddreg [dreg:$0xa];
	[sflag:s5] =	ssyncadd.s32 $0xFFFF8000  }
0x2a: {  	[tilespmem:s2], [sflag:$0x1] =	stream.linear.gather [hbm4b:s24+s2], $0x8000, $0x38;
	[tilespmem:$0x10000] =	vst v63  }
0x2b: {  	_ =	swait.ge [sflag:s6], $0x8000  }
0x2c: {  	[sflag:s6] =	ssyncset.done $0x0  }
0x2d: {  	s25 =	rddreg [dreg:$0xb];
	[sflag:s6] =	ssyncadd.s32 $0xFFFF8000  }
0x2e: {  	[hbm4b:s25+s2] =	stream.linear.scatter [tilespmem:s3], [sflag:$0x4], $0x8000, $0x38;
	[tilespmem:$0x10000] =	vst v63  }
0x2f: {  	s11 =	sor.u32 $0x5000, s30;
	_ =	swait.ge [sflag:s7], $0x8000  }
0x30: {  	s26 =	sadd.s32 s29, s11;
	[sflag:s7] =	ssyncset.done $0x0  }
0x31: {  	[dreg:$0xc] =	wrdreg s26;
	[sflag:s7] =	ssyncadd.s32 $0xFFFF8000  }
0x32: {  	[tilespmem:s3], [sflag:$0x2] =	stream.linear.gather [hbm4b:s26+s2], $0x8000, $0x38;
	[tilespmem:$0x10000] =	vst v63  }
0x33: {  	_ =	swait.ge [sflag:s4], $0x8000  }
0x34: {  	[sflag:s4] =	ssyncset.done $0x0  }
0x35: {  	s0 =	sadd.s32 s1, s17;
	[sflag:s4] =	ssyncadd.s32 $0xFFFF8000  }
0x36: {  	[hbm4b:s0+s2] =	stream.linear.scatter [tilespmem:s2], [sflag:$0x3], $0x8000, $0x38;
	[tilespmem:$0x10000] =	vst v63  }
0x37: {  	_ =	swait.ge [sflag:s5], $0x8000  }
0x38: {  	s13 =	sor.u32 $0x6000, s30;
	[sflag:s5] =	ssyncset.done $0x0  }
0x39: {  	s10 =	sadd.s32 s29, s13;
	[sflag:s5] =	ssyncadd.s32 $0xFFFF8000  }
0x3a: {  	[tilespmem:s2], [sflag:$0x1] =	stream.linear.gather [hbm4b:s10+s2], $0x8000, $0x38;
	[tilespmem:$0x10000] =	vst v63  }
0x3b: {  	_ =	swait.ge [sflag:s6], $0x8000  }
0x3c: {  	[sflag:s6] =	ssyncset.done $0x0  }
0x3d: {  	s11 =	sadd.s32 s1, s11;
	[sflag:s6] =	ssyncadd.s32 $0xFFFF8000  }
0x3e: {  	[hbm4b:s11+s2] =	stream.linear.scatter [tilespmem:s3], [sflag:$0x4], $0x8000, $0x38;
	[tilespmem:$0x10000] =	vst v63  }
0x3f: {  	_ =	swait.ge [sflag:s7], $0x8000  }
0x40: {  	s15 =	sor.u32 $0x7000, s30;
	[sflag:s7] =	ssyncset.done $0x0  }
0x41: {  	s12 =	sadd.s32 s29, s15;
	[sflag:s7] =	ssyncadd.s32 $0xFFFF8000  }
0x42: {  	[tilespmem:s3], [sflag:$0x2] =	stream.linear.gather [hbm4b:s12+s2], $0x8000, $0x38;
	[tilespmem:$0x10000] =	vst v63  }
0x43: {  	_ =	swait.ge [sflag:s4], $0x8000  }
0x44: {  	[sflag:s4] =	ssyncset.done $0x0  }
0x45: {  	s13 =	sadd.s32 s1, s13;
	[sflag:s4] =	ssyncadd.s32 $0xFFFF8000  }
0x46: {  	[hbm4b:s13+s2] =	stream.linear.scatter [tilespmem:s2], [sflag:$0x3], $0x8000, $0x38;
	[tilespmem:$0x10000] =	vst v63  }
0x47: {  	_ =	swait.ge [sflag:s5], $0x8000  }
0x48: {  	s17 =	sor.u32 $0x8000, s30;
	[sflag:s5] =	ssyncset.done $0x0  }
0x49: {  	s14 =	sadd.s32 s29, s17;
	[sflag:s5] =	ssyncadd.s32 $0xFFFF8000  }
0x4a: {  	[tilespmem:s2], [sflag:$0x1] =	stream.linear.gather [hbm4b:s14+s2], $0x8000, $0x38;
	[tilespmem:$0x10000] =	vst v63  }
0x4b: {  	_ =	swait.ge [sflag:s6], $0x8000  }
0x4c: {  	[sflag:s6] =	ssyncset.done $0x0  }
0x4d: {  	s15 =	sadd.s32 s1, s15;
	[sflag:s6] =	ssyncadd.s32 $0xFFFF8000  }
0x4e: {  	[hbm4b:s15+s2] =	stream.linear.scatter [tilespmem:s3], [sflag:$0x4], $0x8000, $0x38;
	[tilespmem:$0x10000] =	vst v63  }
0x4f: {  	_ =	swait.ge [sflag:s7], $0x8000  }
0x50: {  	s19 =	sor.u32 $0x9000, s30;
	[sflag:s7] =	ssyncset.done $0x0  }
0x51: {  	s16 =	sadd.s32 s29, s19;
	[sflag:s7] =	ssyncadd.s32 $0xFFFF8000  }
0x52: {  	[tilespmem:s3], [sflag:$0x2] =	stream.linear.gather [hbm4b:s16+s2], $0x8000, $0x38;
	[tilespmem:$0x10000] =	vst v63  }
0x53: {  	_ =	swait.ge [sflag:s4], $0x8000  }
0x54: {  	[sflag:s4] =	ssyncset.done $0x0  }
0x55: {  	s17 =	sadd.s32 s1, s17;
	[sflag:s4] =	ssyncadd.s32 $0xFFFF8000  }
0x56: {  	[hbm4b:s17+s2] =	stream.linear.scatter [tilespmem:s2], [sflag:$0x3], $0x8000, $0x38;
	[tilespmem:$0x10000] =	vst v63  }
0x57: {  	_ =	swait.ge [sflag:s5], $0x8000  }
0x58: {  	s21 =	sor.u32 $0xA000, s30;
	[sflag:s5] =	ssyncset.done $0x0  }
0x59: {  	s18 =	sadd.s32 s29, s21;
	[sflag:s5] =	ssyncadd.s32 $0xFFFF8000  }
0x5a: {  	[tilespmem:s2], [sflag:$0x1] =	stream.linear.gather [hbm4b:s18+s2], $0x8000, $0x38;
	[tilespmem:$0x10000] =	vst v63  }
0x5b: {  	_ =	swait.ge [sflag:s6], $0x8000  }
0x5c: {  	[sflag:s6] =	ssyncset.done $0x0  }
0x5d: {  	s19 =	sadd.s32 s1, s19;
	[sflag:s6] =	ssyncadd.s32 $0xFFFF8000  }
0x5e: {  	[hbm4b:s19+s2] =	stream.linear.scatter [tilespmem:s3], [sflag:$0x4], $0x8000, $0x38;
	[tilespmem:$0x10000] =	vst v63  }
0x5f: {  	_ =	swait.ge [sflag:s7], $0x8000  }
0x60: {  	s23 =	sor.u32 $0xB000, s30;
	[sflag:s7] =	ssyncset.done $0x0  }
0x61: {  	s20 =	sadd.s32 s29, s23;
	[sflag:s7] =	ssyncadd.s32 $0xFFFF8000  }
0x62: {  	[tilespmem:s3], [sflag:$0x2] =	stream.linear.gather [hbm4b:s20+s2], $0x8000, $0x38;
	[tilespmem:$0x10000] =	vst v63  }
0x63: {  	_ =	swait.ge [sflag:s4], $0x8000  }
0x64: {  	[sflag:s4] =	ssyncset.done $0x0  }
0x65: {  	s21 =	sadd.s32 s1, s21;
	[sflag:s4] =	ssyncadd.s32 $0xFFFF8000  }
0x66: {  	[hbm4b:s21+s2] =	stream.linear.scatter [tilespmem:s2], [sflag:$0x3], $0x8000, $0x38;
	[tilespmem:$0x10000] =	vst v63  }
0x67: {  	_ =	swait.ge [sflag:s5], $0x8000  }
0x68: {  	s25 =	sor.u32 $0xC000, s30;
	[sflag:s5] =	ssyncset.done $0x0  }
0x69: {  	s22 =	sadd.s32 s29, s25;
	[sflag:s5] =	ssyncadd.s32 $0xFFFF8000  }
0x6a: {  	[tilespmem:s2], [sflag:$0x1] =	stream.linear.gather [hbm4b:s22+s2], $0x8000, $0x38;
	[tilespmem:$0x10000] =	vst v63  }
0x6b: {  	_ =	swait.ge [sflag:s6], $0x8000  }
0x6c: {  	[sflag:s6] =	ssyncset.done $0x0  }
0x6d: {  	s23 =	sadd.s32 s1, s23;
	[sflag:s6] =	ssyncadd.s32 $0xFFFF8000  }
0x6e: {  	[hbm4b:s23+s2] =	stream.linear.scatter [tilespmem:s3], [sflag:$0x4], $0x8000, $0x38;
	[tilespmem:$0x10000] =	vst v63  }
0x6f: {  	_ =	swait.ge [sflag:s7], $0x8000  }
0x70: {  	s28 =	sor.u32 $0xD000, s30;
	[sflag:s7] =	ssyncset.done $0x0  }
0x71: {  	s24 =	sadd.s32 s29, s28;
	[sflag:s7] =	ssyncadd.s32 $0xFFFF8000  }
0x72: {  	[tilespmem:s3], [sflag:$0x2] =	stream.linear.gather [hbm4b:s24+s2], $0x8000, $0x38;
	[tilespmem:$0x10000] =	vst v63  }
0x73: {  	_ =	swait.ge [sflag:s4], $0x8000  }
0x74: {  	[sflag:s4] =	ssyncset.done $0x0  }
0x75: {  	s25 =	sadd.s32 s1, s25;
	[sflag:s4] =	ssyncadd.s32 $0xFFFF8000  }
0x76: {  	[hbm4b:s25+s2] =	stream.linear.scatter [tilespmem:s2], [sflag:$0x3], $0x8000, $0x38;
	[tilespmem:$0x10000] =	vst v63  }
0x77: {  	_ =	swait.ge [sflag:s5], $0x8000  }
0x78: {  	s31 =	sor.u32 $0xE000, s30;
	[sflag:s5] =	ssyncset.done $0x0  }
0x79: {  	s26 =	sadd.s32 s29, s31;
	[sflag:s5] =	ssyncadd.s32 $0xFFFF8000  }
0x7a: {  	[tilespmem:s2], [sflag:$0x1] =	stream.linear.gather [hbm4b:s26+s2], $0x8000, $0x38;
	[tilespmem:$0x10000] =	vst v63  }
0x7b: {  	_ =	swait.ge [sflag:s6], $0x8000  }
0x7c: {  	[sflag:s6] =	ssyncset.done $0x0  }
0x7d: {  	s28 =	sadd.s32 s1, s28;
	[sflag:s6] =	ssyncadd.s32 $0xFFFF8000  }
0x7e: {  	[hbm4b:s28+s2] =	stream.linear.scatter [tilespmem:s3], [sflag:$0x4], $0x8000, $0x38;
	[tilespmem:$0x10000] =	vst v63  }
0x7f: {  	_ =	swait.ge [sflag:s7], $0x8000  }
0x80: {  	s8 =	sor.u32 $0xF000, s30;
	[sflag:s7] =	ssyncset.done $0x0  }
0x81: {  	s29 =	sadd.s32 s29, s8;
	[sflag:s7] =	ssyncadd.s32 $0xFFFF8000  }
0x82: {  	[tilespmem:s3], [sflag:$0x2] =	stream.linear.gather [hbm4b:s29+s2], $0x8000, $0x38;
	[tilespmem:$0x10000] =	vst v63  }
0x83: {  	_ =	swait.ge [sflag:s4], $0x8000  }
0x84: {  	[sflag:s4] =	ssyncset.done $0x0  }
0x85: {  	s30 =	sadd.s32 s1, s31;
	[sflag:s4] =	ssyncadd.s32 $0xFFFF8000  }
0x86: {  	[hbm4b:s30+s2] =	stream.linear.scatter [tilespmem:s2], [sflag:$0x3], $0x8000, $0x38;
	[tilespmem:$0x10000] =	vst v63  }
0x87: {  	_ =	swait.ge [sflag:s6], $0x8000  }
0x88: {  	s31 =	sadd.s32 s1, s8;
	[sflag:s6] =	ssyncset.done $0x0;
	s1 =	rddreg [dreg:$0xd]  }
0x89: {  	s9 =	smov.u32 s0;
	s0 =	ssub.s32 $0x2, s1;
	[sflag:s6] =	ssyncadd.s32 $0xFFFF8000  }
0x8a: {  	[hbm4b:s31+s2] =	stream.linear.scatter [tilespmem:s3], [sflag:$0x4], $0x8000, $0x38;
	[tilespmem:$0x10000] =	vst v63  }
0x8b: {  	s8 =	sshrl.u32 s0, $0x1  }
0x8c: {  	s0 =	ssub.s32 s0, s8  }
0x8d: {  	s0 =	smax.u32 s0, $0x1  }
0x8e: {  	p0 =	sne.s32 s0, $0x1  }
.Ltmp0:
0x8f: {  	_ =	swait.ge [sflag:s5], $0x8000;
	(pc) =	sbr.rel @!p0 .LBB2_2-.Ltmp0, $4  }
0x90: {  	[sflag:s5] =	ssyncset.done $0x0  }
0x91: {  	[sflag:s5] =	ssyncadd.s32 $0xFFFF8000  }
0x92: {  	_ =	swait.ge [sflag:s7], $0x8000  }
0x93: {  	s0 =	sadd.s32 $0xFFFFFFFF, s0;
	[sflag:s7] =	ssyncset.done $0x0  }
.LBB2_1:
0x94: {  	s1 =	rddreg [dreg:$0x3];
	[sflag:s7] =	ssyncadd.s32 $0xFFFF8000  }
0x95: {  	[tilespmem:s2], [sflag:$0x1] =	stream.linear.gather [hbm4b:s1+s2], $0x8000, $0x38;
	[tilespmem:$0x10000] =	vst v63  }
0x96: {  	s8 =	rddreg [dreg:$0x4]  }
0x97: {  	[tilespmem:s3], [sflag:$0x2] =	stream.linear.gather [hbm4b:s8+s2], $0x8000, $0x38;
	[tilespmem:$0x10000] =	vst v63  }
0x98: {  	_ =	swait.ge [sflag:s4], $0x8000  }
0x99: {  	[sflag:s4] =	ssyncset.done $0x0  }
0x9a: {  	s8 =	rddreg [dreg:$0x5];
	[sflag:s4] =	ssyncadd.s32 $0xFFFF8000  }
0x9b: {  	[hbm4b:s8+s2] =	stream.linear.scatter [tilespmem:s2], [sflag:$0x3], $0x8000, $0x38;
	[tilespmem:$0x10000] =	vst v63  }
0x9c: {  	_ =	swait.ge [sflag:s5], $0x8000  }
0x9d: {  	[sflag:s5] =	ssyncset.done $0x0  }
0x9e: {  	s8 =	rddreg [dreg:$0x6];
	[sflag:s5] =	ssyncadd.s32 $0xFFFF8000  }
0x9f: {  	[tilespmem:s2], [sflag:$0x1] =	stream.linear.gather [hbm4b:s8+s2], $0x8000, $0x38;
	[tilespmem:$0x10000] =	vst v63  }
0xa0: {  	_ =	swait.ge [sflag:s6], $0x8000  }
0xa1: {  	[sflag:s6] =	ssyncset.done $0x0  }
0xa2: {  	s8 =	rddreg [dreg:$0x7];
	[sflag:s6] =	ssyncadd.s32 $0xFFFF8000  }
0xa3: {  	[hbm4b:s8+s2] =	stream.linear.scatter [tilespmem:s3], [sflag:$0x4], $0x8000, $0x38;
	[tilespmem:$0x10000] =	vst v63  }
0xa4: {  	_ =	swait.ge [sflag:s7], $0x8000  }
0xa5: {  	[sflag:s7] =	ssyncset.done $0x0  }
0xa6: {  	s8 =	rddreg [dreg:$0x8];
	[sflag:s7] =	ssyncadd.s32 $0xFFFF8000  }
0xa7: {  	[tilespmem:s3], [sflag:$0x2] =	stream.linear.gather [hbm4b:s8+s2], $0x8000, $0x38;
	[tilespmem:$0x10000] =	vst v63  }
0xa8: {  	_ =	swait.ge [sflag:s4], $0x8000  }
0xa9: {  	[sflag:s4] =	ssyncset.done $0x0  }
0xaa: {  	s8 =	rddreg [dreg:$0x9];
	[sflag:s4] =	ssyncadd.s32 $0xFFFF8000  }
0xab: {  	[hbm4b:s8+s2] =	stream.linear.scatter [tilespmem:s2], [sflag:$0x3], $0x8000, $0x38;
	[tilespmem:$0x10000] =	vst v63  }
0xac: {  	_ =	swait.ge [sflag:s5], $0x8000  }
0xad: {  	[sflag:s5] =	ssyncset.done $0x0  }
0xae: {  	s8 =	rddreg [dreg:$0xa];
	[sflag:s5] =	ssyncadd.s32 $0xFFFF8000  }
0xaf: {  	[tilespmem:s2], [sflag:$0x1] =	stream.linear.gather [hbm4b:s8+s2], $0x8000, $0x38;
	[tilespmem:$0x10000] =	vst v63  }
0xb0: {  	_ =	swait.ge [sflag:s6], $0x8000  }
0xb1: {  	[sflag:s6] =	ssyncset.done $0x0  }
0xb2: {  	s8 =	rddreg [dreg:$0xb];
	[sflag:s6] =	ssyncadd.s32 $0xFFFF8000  }
0xb3: {  	[hbm4b:s8+s2] =	stream.linear.scatter [tilespmem:s3], [sflag:$0x4], $0x8000, $0x38;
	[tilespmem:$0x10000] =	vst v63  }
0xb4: {  	_ =	swait.ge [sflag:s7], $0x8000  }
0xb5: {  	[sflag:s7] =	ssyncset.done $0x0  }
0xb6: {  	s8 =	rddreg [dreg:$0xc];
	[sflag:s7] =	ssyncadd.s32 $0xFFFF8000  }
0xb7: {  	[tilespmem:s3], [sflag:$0x2] =	stream.linear.gather [hbm4b:s8+s2], $0x8000, $0x38;
	[tilespmem:$0x10000] =	vst v63  }
0xb8: {  	_ =	swait.ge [sflag:s4], $0x8000  }
0xb9: {  	[sflag:s4] =	ssyncset.done $0x0  }
0xba: {  	[sflag:s4] =	ssyncadd.s32 $0xFFFF8000  }
0xbb: {  	[hbm4b:s9+s2] =	stream.linear.scatter [tilespmem:s2], [sflag:$0x3], $0x8000, $0x38;
	[tilespmem:$0x10000] =	vst v63  }
0xbc: {  	_ =	swait.ge [sflag:s5], $0x8000  }
0xbd: {  	[sflag:s5] =	ssyncset.done $0x0  }
0xbe: {  	[sflag:s5] =	ssyncadd.s32 $0xFFFF8000  }
0xbf: {  	[tilespmem:s2], [sflag:$0x1] =	stream.linear.gather [hbm4b:s10+s2], $0x8000, $0x38;
	[tilespmem:$0x10000] =	vst v63  }
0xc0: {  	_ =	swait.ge [sflag:s6], $0x8000  }
0xc1: {  	[sflag:s6] =	ssyncset.done $0x0  }
0xc2: {  	[sflag:s6] =	ssyncadd.s32 $0xFFFF8000  }
0xc3: {  	[hbm4b:s11+s2] =	stream.linear.scatter [tilespmem:s3], [sflag:$0x4], $0x8000, $0x38;
	[tilespmem:$0x10000] =	vst v63  }
0xc4: {  	_ =	swait.ge [sflag:s7], $0x8000  }
0xc5: {  	[sflag:s7] =	ssyncset.done $0x0  }
0xc6: {  	[sflag:s7] =	ssyncadd.s32 $0xFFFF8000  }
0xc7: {  	[tilespmem:s3], [sflag:$0x2] =	stream.linear.gather [hbm4b:s12+s2], $0x8000, $0x38;
	[tilespmem:$0x10000] =	vst v63  }
0xc8: {  	_ =	swait.ge [sflag:s4], $0x8000  }
0xc9: {  	[sflag:s4] =	ssyncset.done $0x0  }
0xca: {  	[sflag:s4] =	ssyncadd.s32 $0xFFFF8000  }
0xcb: {  	[hbm4b:s13+s2] =	stream.linear.scatter [tilespmem:s2], [sflag:$0x3], $0x8000, $0x38;
	[tilespmem:$0x10000] =	vst v63  }
0xcc: {  	_ =	swait.ge [sflag:s5], $0x8000  }
0xcd: {  	[sflag:s5] =	ssyncset.done $0x0  }
0xce: {  	[sflag:s5] =	ssyncadd.s32 $0xFFFF8000  }
0xcf: {  	[tilespmem:s2], [sflag:$0x1] =	stream.linear.gather [hbm4b:s14+s2], $0x8000, $0x38;
	[tilespmem:$0x10000] =	vst v63  }
0xd0: {  	_ =	swait.ge [sflag:s6], $0x8000  }
0xd1: {  	[sflag:s6] =	ssyncset.done $0x0  }
0xd2: {  	[sflag:s6] =	ssyncadd.s32 $0xFFFF8000  }
0xd3: {  	[hbm4b:s15+s2] =	stream.linear.scatter [tilespmem:s3], [sflag:$0x4], $0x8000, $0x38;
	[tilespmem:$0x10000] =	vst v63  }
0xd4: {  	_ =	swait.ge [sflag:s7], $0x8000  }
0xd5: {  	[sflag:s7] =	ssyncset.done $0x0  }
0xd6: {  	[sflag:s7] =	ssyncadd.s32 $0xFFFF8000  }
0xd7: {  	[tilespmem:s3], [sflag:$0x2] =	stream.linear.gather [hbm4b:s16+s2], $0x8000, $0x38;
	[tilespmem:$0x10000] =	vst v63  }
0xd8: {  	_ =	swait.ge [sflag:s4], $0x8000  }
0xd9: {  	[sflag:s4] =	ssyncset.done $0x0  }
0xda: {  	[sflag:s4] =	ssyncadd.s32 $0xFFFF8000  }
0xdb: {  	[hbm4b:s17+s2] =	stream.linear.scatter [tilespmem:s2], [sflag:$0x3], $0x8000, $0x38;
	[tilespmem:$0x10000] =	vst v63  }
0xdc: {  	_ =	swait.ge [sflag:s5], $0x8000  }
0xdd: {  	[sflag:s5] =	ssyncset.done $0x0  }
0xde: {  	[sflag:s5] =	ssyncadd.s32 $0xFFFF8000  }
0xdf: {  	[tilespmem:s2], [sflag:$0x1] =	stream.linear.gather [hbm4b:s18+s2], $0x8000, $0x38;
	[tilespmem:$0x10000] =	vst v63  }
0xe0: {  	_ =	swait.ge [sflag:s6], $0x8000  }
0xe1: {  	[sflag:s6] =	ssyncset.done $0x0  }
0xe2: {  	[sflag:s6] =	ssyncadd.s32 $0xFFFF8000  }
0xe3: {  	[hbm4b:s19+s2] =	stream.linear.scatter [tilespmem:s3], [sflag:$0x4], $0x8000, $0x38;
	[tilespmem:$0x10000] =	vst v63  }
0xe4: {  	_ =	swait.ge [sflag:s7], $0x8000  }
0xe5: {  	[sflag:s7] =	ssyncset.done $0x0  }
0xe6: {  	[sflag:s7] =	ssyncadd.s32 $0xFFFF8000  }
0xe7: {  	[tilespmem:s3], [sflag:$0x2] =	stream.linear.gather [hbm4b:s20+s2], $0x8000, $0x38;
	[tilespmem:$0x10000] =	vst v63  }
0xe8: {  	_ =	swait.ge [sflag:s4], $0x8000  }
0xe9: {  	[sflag:s4] =	ssyncset.done $0x0  }
0xea: {  	[sflag:s4] =	ssyncadd.s32 $0xFFFF8000  }
0xeb: {  	[hbm4b:s21+s2] =	stream.linear.scatter [tilespmem:s2], [sflag:$0x3], $0x8000, $0x38;
	[tilespmem:$0x10000] =	vst v63  }
0xec: {  	_ =	swait.ge [sflag:s5], $0x8000  }
0xed: {  	[sflag:s5] =	ssyncset.done $0x0  }
0xee: {  	[sflag:s5] =	ssyncadd.s32 $0xFFFF8000  }
0xef: {  	[tilespmem:s2], [sflag:$0x1] =	stream.linear.gather [hbm4b:s22+s2], $0x8000, $0x38;
	[tilespmem:$0x10000] =	vst v63  }
0xf0: {  	_ =	swait.ge [sflag:s6], $0x8000  }
0xf1: {  	[sflag:s6] =	ssyncset.done $0x0  }
0xf2: {  	[sflag:s6] =	ssyncadd.s32 $0xFFFF8000  }
0xf3: {  	[hbm4b:s23+s2] =	stream.linear.scatter [tilespmem:s3], [sflag:$0x4], $0x8000, $0x38;
	[tilespmem:$0x10000] =	vst v63  }
0xf4: {  	_ =	swait.ge [sflag:s7], $0x8000  }
0xf5: {  	[sflag:s7] =	ssyncset.done $0x0  }
0xf6: {  	[sflag:s7] =	ssyncadd.s32 $0xFFFF8000  }
0xf7: {  	[tilespmem:s3], [sflag:$0x2] =	stream.linear.gather [hbm4b:s24+s2], $0x8000, $0x38;
	[tilespmem:$0x10000] =	vst v63  }
0xf8: {  	_ =	swait.ge [sflag:s4], $0x8000  }
0xf9: {  	[sflag:s4] =	ssyncset.done $0x0  }
0xfa: {  	[sflag:s4] =	ssyncadd.s32 $0xFFFF8000  }
0xfb: {  	[hbm4b:s25+s2] =	stream.linear.scatter [tilespmem:s2], [sflag:$0x3], $0x8000, $0x38;
	[tilespmem:$0x10000] =	vst v63  }
0xfc: {  	_ =	swait.ge [sflag:s5], $0x8000  }
0xfd: {  	[sflag:s5] =	ssyncset.done $0x0  }
0xfe: {  	[sflag:s5] =	ssyncadd.s32 $0xFFFF8000  }
0xff: {  	[tilespmem:s2], [sflag:$0x1] =	stream.linear.gather [hbm4b:s26+s2], $0x8000, $0x38;
	[tilespmem:$0x10000] =	vst v63  }
0x100: {  	_ =	swait.ge [sflag:s6], $0x8000  }
0x101: {  	[sflag:s6] =	ssyncset.done $0x0  }
0x102: {  	[sflag:s6] =	ssyncadd.s32 $0xFFFF8000  }
0x103: {  	[hbm4b:s28+s2] =	stream.linear.scatter [tilespmem:s3], [sflag:$0x4], $0x8000, $0x38;
	[tilespmem:$0x10000] =	vst v63  }
0x104: {  	_ =	swait.ge [sflag:s7], $0x8000  }
0x105: {  	[sflag:s7] =	ssyncset.done $0x0  }
0x106: {  	[sflag:s7] =	ssyncadd.s32 $0xFFFF8000  }
0x107: {  	[tilespmem:s3], [sflag:$0x2] =	stream.linear.gather [hbm4b:s29+s2], $0x8000, $0x38;
	[tilespmem:$0x10000] =	vst v63  }
0x108: {  	_ =	swait.ge [sflag:s4], $0x8000  }
0x109: {  	[sflag:s4] =	ssyncset.done $0x0  }
0x10a: {  	[sflag:s4] =	ssyncadd.s32 $0xFFFF8000  }
0x10b: {  	[hbm4b:s30+s2] =	stream.linear.scatter [tilespmem:s2], [sflag:$0x3], $0x8000, $0x38;
	[tilespmem:$0x10000] =	vst v63  }
0x10c: {  	_ =	swait.ge [sflag:s6], $0x8000  }
0x10d: {  	[sflag:s6] =	ssyncset.done $0x0  }
0x10e: {  	p0 =	sne.s32 s0, $0x1;
	[sflag:s6] =	ssyncadd.s32 $0xFFFF8000  }
0x10f: {  	[hbm4b:s31+s2] =	stream.linear.scatter [tilespmem:s3], [sflag:$0x4], $0x8000, $0x38;
	[tilespmem:$0x10000] =	vst v63  }
.Ltmp1:
0x110: {  	_ =	swait.ge [sflag:s5], $0x8000;
	(pc) =	sbr.rel @p0 .LBB2_1-.Ltmp1, $4  }
0x111: {  	[sflag:s5] =	ssyncset.done $0x0  }
0x112: {  	[sflag:s5] =	ssyncadd.s32 $0xFFFF8000  }
0x113: {  	_ =	swait.ge [sflag:s7], $0x8000  }
0x114: {  	s0 =	sadd.s32 $0xFFFFFFFF, s0;
	[sflag:s7] =	ssyncset.done $0x0  }
.LBB2_2:
0x115: {  	[sflag:s7] =	ssyncadd.s32 $0xFFFF8000  }
0x116: {  	_ =	sfence.sel $0x180000  }
0x117: {  	[bflag:$0x0] =	sbarrier.arrive $0xFFFF  }
0x118: {  	_ =	strace $0x90000047  }
0x119: {  	s0 =	stileid.u32;
	[bflag:$0x2] =	sbarrier.arrive $0xFFFF  }
0x11a: {  	p0 =	sne.s32 s0, $0x0;
	s0 =	rddreg [dreg:$0x2]  }
0x11b: {  	s0 =	sadd.s32 @!p0 $0x100000, s0  }
0x11c: {  	[sflag:s0] =	ssyncadd.tile.s32 @!p0 $0x1;
	_ =	shalt  }
.Lfunc_end2:
_tile_overlayer_lowered:
.L_overlay_start_2:
0x11d: {  	(tag) =	ssettag $0x2  }
0x11e: {  	s0 =	rddreg [dreg:$0x0];
	s2 =	stileid.u32  }
0x11f: {  	s1 =	rddreg [dreg:$0x1];
	p0 =	sne.s32 s2, $0x0  }
0x120: {  	s3 =	rddreg [dreg:$0x2];
	[bflag:$0x3] =	sbarrier.arrive $0xFFFF;
	s2 =	simm.s32 @!p0 $0x1C05  }
0x121: {  	[timem:s3], [sflag:s2] =	dma.local @!p0 [hbm:s0], s1  }
0x122: {  	s0 =	simm.s32 @!p0 $0x5  }
0x123: {  	_ =	swait.ge @!p0 [sflag:s0], s1  }
0x124: {  	s1 =	ssub.s32 @!p0 $0x0, s1;
	[sflag:s0] =	ssyncset.done @!p0 $0x0  }
0x125: {  	[sflag:s0] =	ssyncadd.s32 @!p0 s1  }
0x126: {  	[bflag:$0x3] =	sbarrier.arrive $0xFFFF  }
0x127: {  	_ =	shalt  }

</sc_bundles>
